<compile_context>
chip_gen: v7x
topology: tpu7x:2x2x1
jax: 0.10.2.dev20260603
libtpu: 0.0.44.dev20260713+nightly
codegen_flags: <defaults>
</compile_context>

<pallas_src>
import functools

import jax
import jax.numpy as jnp
from jax import lax
from jax.experimental import pallas as pl
from jax.experimental.pallas import tpu as pltpu
from jax.experimental.pallas import tpu_sc as plsc

NC = 2
NS = 16
NW = NC * NS
ECH = 128
DCH = 128


def _mesh():
    return plsc.VectorSubcoreMesh(
        core_axis_name="c", subcore_axis_name="s", num_cores=NC, num_subcores=NS)


def _deg_kernel(n_acc, per_w):

    @functools.partial(
        pl.kernel,
        mesh=_mesh(),
        out_type=jax.ShapeDtypeStruct((NW, n_acc), jnp.float32),
        scratch_types=[
            pltpu.VMEM((per_w,), jnp.int32),
            pltpu.VMEM((n_acc,), jnp.float32),
        ],
        compiler_params=pltpu.CompilerParams(needs_layout_passes=False),
    )
    def k(dst_hbm, zeros_hbm, out_hbm, dst_v, ldeg):
        c = lax.axis_index("c")
        s = lax.axis_index("s")
        w = c * NS + s
        pltpu.sync_copy(zeros_hbm, ldeg)
        pltpu.sync_copy(dst_hbm.at[w], dst_v)
        ones16 = jnp.ones((16,), jnp.float32)

        def body(i, carry):
            idx = dst_v[pl.ds(i * 16, 16)]
            plsc.addupdate_scatter(ldeg, [idx], ones16)
            return carry

        lax.fori_loop(0, per_w // 16, body, 0)
        pltpu.sync_copy(ldeg, out_hbm.at[w])

    return k


def _edge_kernel(n_acc, d, n_chunks, nc0, nc1):
    init_rows = n_acc // NS

    @functools.partial(
        pl.kernel,
        mesh=_mesh(),
        out_type=jax.ShapeDtypeStruct((NC, n_acc, d), jnp.float32),
        scratch_types=[
            pltpu.VMEM_SHARED((n_acc, d), jnp.float32),
            pltpu.VMEM((n_chunks, ECH), jnp.int32),
            pltpu.VMEM((n_chunks, ECH), jnp.int32),
            pltpu.VMEM((ECH, d), jnp.float32),
            pltpu.SemaphoreType.DMA,
        ],
    )
    def k(y_hbm, src_hbm, dst_hbm, zeros_hbm, out_hbm, acc, src_v, dst_v,
          rows_v, sem):
        c = lax.axis_index("c")
        s = lax.axis_index("s")
        w = c * NS + s
        pltpu.sync_copy(zeros_hbm.at[pl.ds(s * init_rows, init_rows)],
                        acc.at[pl.ds(s * init_rows, init_rows)])
        pltpu.sync_copy(src_hbm.at[w], src_v)
        pltpu.sync_copy(dst_hbm.at[w], dst_v)
        plsc.subcore_barrier()

        nb = jnp.where(c == 0, nc0, nc1)

        def body(j, carry):
            @pl.when(j < nb)
            def _():
                pltpu.async_copy(y_hbm.at[src_v.at[j]], rows_v, sem).wait()
                pltpu.sync_copy(rows_v, acc.at[dst_v.at[j]], add=True)
            return carry

        lax.fori_loop(0, n_chunks, body, 0)
        plsc.subcore_barrier()
        pltpu.sync_copy(acc.at[pl.ds(s * init_rows, init_rows)],
                        out_hbm.at[c, pl.ds(s * init_rows, init_rows)])

    return k


def _decode_gather_kernel(n, d, n_chunks, l0, l1):
    out_rows = NS * (l0 + l1) * DCH

    @functools.partial(
        pl.kernel,
        mesh=_mesh(),
        out_type=(
            jax.ShapeDtypeStruct((out_rows, d), jnp.float32),
            jax.ShapeDtypeStruct((out_rows, d), jnp.float32),
        ),
        scratch_types=[
            pltpu.VMEM((n_chunks, DCH), jnp.int32),
            pltpu.VMEM((n_chunks, DCH), jnp.int32),
            pltpu.VMEM((DCH, d), jnp.float32),
            pltpu.VMEM((DCH, d), jnp.float32),
            pltpu.SemaphoreType.DMA,
            pltpu.SemaphoreType.DMA,
        ],
    )
    def k(z_hbm, i0_hbm, i1_hbm, a_hbm, b_hbm, i0_v, i1_v, ra_v, rb_v, s0, s1):
        c = lax.axis_index("c")
        s = lax.axis_index("s")
        w = c * NS + s
        nb = jnp.where(c == 0, l0, l1)
        base = jnp.where(c == 0, s * l0, NS * l0 + s * l1) * DCH
        pltpu.sync_copy(i0_hbm.at[w], i0_v)
        pltpu.sync_copy(i1_hbm.at[w], i1_v)

        def body(j, carry):
            @pl.when(j < nb)
            def _():
                cp0 = pltpu.async_copy(z_hbm.at[i0_v.at[j]], ra_v, s0)
                cp1 = pltpu.async_copy(z_hbm.at[i1_v.at[j]], rb_v, s1)
                cp0.wait()
                cp1.wait()
                pltpu.sync_copy(ra_v, a_hbm.at[pl.ds(base + j * DCH, DCH)])
                pltpu.sync_copy(rb_v, b_hbm.at[pl.ds(base + j * DCH, DCH)])
            return carry

        lax.fori_loop(0, n_chunks, body, 0)

    return k


def _tc_dinv_body(degp_ref, dinv_ref):
    deg = jnp.sum(degp_ref[...], axis=0) + 1.0
    dinv_ref[...] = lax.rsqrt(deg)[:, None]


def _tc_y1_body(x_ref, w_ref, dinv_ref, y_ref):
    xw = jnp.dot(x_ref[...], w_ref[...], preferred_element_type=jnp.float32)
    y_ref[...] = xw * dinv_ref[...]


def _tc_mid_body(p_ref, y1_ref, dinv_ref, b1_ref, zs_ref):
    dinv = dinv_ref[...]
    h = (p_ref[0] + p_ref[1] + y1_ref[...]) * dinv + b1_ref[...]
    zs_ref[...] = jnp.maximum(h, 0.0) * dinv


def _tc_z2_body(p_ref, zs_ref, dinv_ref, b2_ref, w2_ref, z2_ref):
    u = (p_ref[0] + p_ref[1] + zs_ref[...]) * dinv_ref[...]
    z2 = jnp.dot(u, w2_ref[...], preferred_element_type=jnp.float32) + b2_ref[...]
    d_out = z2.shape[1]
    z2_ref[:, :d_out] = z2
    z2_ref[:, d_out:] = jnp.zeros_like(z2_ref[:, d_out:])


def _tc_dot_body(a_ref, b_ref, o_ref):
    o_ref[...] = jnp.sum(a_ref[...] * b_ref[...], axis=-1, keepdims=True)


def _row_blocks(n):
    for bs in (1000, 500, 250, 125, 100, 50, 25, 8, 5, 4, 2, 1):
        if n % bs == 0:
            return bs
    return n


def _split_chunks(a, fill, c0_chunks, c1_chunks, max_chunks, ch):
    n0 = NS * c0_chunks * ch
    n1 = NS * c1_chunks * ch
    a = a.astype(jnp.int32)
    pad_total = n0 + n1 - a.shape[0]
    a = jnp.concatenate([a, jnp.full((pad_total,), fill, dtype=jnp.int32)])

    def lay(seg, nchunks):
        seg = seg.reshape(NS, nchunks * ch)
        tail = jnp.full((NS, (max_chunks - nchunks) * ch), fill,
                        dtype=jnp.int32)
        return jnp.concatenate([seg, tail], axis=1)

    out = jnp.concatenate([lay(a[:n0], c0_chunks),
                           lay(a[n0:], c1_chunks)], axis=0)
    return out.reshape(NW, max_chunks, ch)


def _pad_chunks(a, fill, per_w_chunks, ch):
    total = NW * per_w_chunks * ch
    pad = total - a.shape[0]
    a = jnp.concatenate([a.astype(jnp.int32),
                         jnp.full((pad,), fill, dtype=jnp.int32)])
    return a.reshape(NW, per_w_chunks, ch)


def kernel(x, edge_index, edge_label_index, W1, b1, W2, b2):
    n, d_in = x.shape
    d_hid = W1.shape[1]
    d_out = W2.shape[1]
    e = edge_index.shape[1]
    e_lab = edge_label_index.shape[1]

    n_acc = ((n + 1 + NS * 8 - 1) // (NS * 8)) * (NS * 8)
    dump = n

    ect = -(-e // (NS * ECH))
    ec0 = max(1, (ect * 2) // 7)
    ec1 = ect - ec0
    if ec1 > 112:
        ec0 += ec1 - 112
        ec1 = 112
    ec = max(ec0, ec1)
    lct = -(-e_lab // (NS * DCH))
    l0 = max(1, lct // 2)
    l1 = lct - l0
    lc = max(l0, l1)

    src3 = _split_chunks(edge_index[0], 0, ec0, ec1, ec, ECH)
    dst3 = _split_chunks(edge_index[1], dump, ec0, ec1, ec, ECH)
    li0 = _split_chunks(edge_label_index[0], 0, l0, l1, lc, DCH)
    li1 = _split_chunks(edge_label_index[1], 0, l0, l1, lc, DCH)

    zeros_deg = jnp.zeros((n_acc,), jnp.float32)
    zeros1 = jnp.zeros((n_acc, d_hid), jnp.float32)

    deg_p = _deg_kernel(n_acc, ec * ECH)(dst3.reshape(NW, ec * ECH), zeros_deg)

    dinv = pl.pallas_call(
        _tc_dinv_body,
        grid=(1,),
        in_specs=[pl.BlockSpec((NW, n_acc), lambda i: (0, 0))],
        out_specs=pl.BlockSpec((n_acc, 1), lambda i: (0, 0)),
        out_shape=jax.ShapeDtypeStruct((n_acc, 1), jnp.float32),
    )(deg_p)

    bs = _row_blocks(n)
    grid = (n // bs,)
    deg_spec = pl.BlockSpec((bs, 1), lambda i: (i, 0))
    row_spec = lambda d: pl.BlockSpec((bs, d), lambda i: (i, 0))
    mat_spec = lambda a, b: pl.BlockSpec((a, b), lambda i: (0, 0))
    p_spec = lambda d: pl.BlockSpec((NC, bs, d), lambda i: (0, i, 0))

    y1 = pl.pallas_call(
        _tc_y1_body,
        grid=grid,
        in_specs=[row_spec(d_in), mat_spec(d_in, d_hid), deg_spec],
        out_specs=row_spec(d_hid),
        out_shape=jax.ShapeDtypeStruct((n, d_hid), jnp.float32),
    )(x, W1, dinv)

    p1 = _edge_kernel(n_acc, d_hid, ec, ec0, ec1)(y1, src3, dst3, zeros1)

    zs = pl.pallas_call(
        _tc_mid_body,
        grid=grid,
        in_specs=[p_spec(d_hid), row_spec(d_hid), deg_spec,
                  mat_spec(1, d_hid)],
        out_specs=row_spec(d_hid),
        out_shape=jax.ShapeDtypeStruct((n, d_hid), jnp.float32),
    )(p1, y1, dinv, b1.reshape(1, d_hid))

    p2 = _edge_kernel(n_acc, d_hid, ec, ec0, ec1)(zs, src3, dst3, zeros1)

    z2 = pl.pallas_call(
        _tc_z2_body,
        grid=grid,
        in_specs=[p_spec(d_hid), row_spec(d_hid), deg_spec,
                  mat_spec(1, d_out), mat_spec(d_hid, d_out)],
        out_specs=row_spec(d_hid),
        out_shape=jax.ShapeDtypeStruct((n, d_hid), jnp.float32),
    )(p2, zs, dinv, b2.reshape(1, d_out), W2)

    a_rows, b_rows = _decode_gather_kernel(n, d_hid, lc, l0, l1)(z2, li0, li1)

    e_pad = NS * (l0 + l1) * DCH
    dbs = min(2048, e_pad)
    while e_pad % dbs:
        dbs //= 2
    logits2 = pl.pallas_call(
        _tc_dot_body,
        grid=(e_pad // dbs,),
        in_specs=[pl.BlockSpec((dbs, d_hid), lambda i: (i, 0)),
                  pl.BlockSpec((dbs, d_hid), lambda i: (i, 0))],
        out_specs=pl.BlockSpec((dbs, 1), lambda i: (i, 0)),
        out_shape=jax.ShapeDtypeStruct((e_pad, 1), jnp.float32),
    )(a_rows, b_rows)

    return logits2[:e_lab, 0]

# --- scband reference (transcript-rebuilt; emitter-appended) ---
"""Pipeline reference for scband-net-14130442404215 (READ-ONLY COPY).

The authoritative reference and input builder live on the scoring server;
editing this copy changes nothing except your own understanding.
"""

import jax, jax.numpy as jnp
import numpy as np


def gcn_conv(x, edge_index, W, b):
    # Faithful PyG GCNConv: add self-loops, symmetric normalization, linear, scatter-add, bias.
    N = x.shape[0]
    src = edge_index[0]
    dst = edge_index[1]
    loop = jnp.arange(N, dtype=src.dtype)
    src = jnp.concatenate([src, loop])
    dst = jnp.concatenate([dst, loop])
    deg = jnp.zeros((N,), dtype=x.dtype).at[dst].add(1.0)
    dinv = jnp.where(deg > 0, deg ** -0.5, 0.0)
    norm = dinv[src] * dinv[dst]
    xw = x @ W
    msg = xw[src] * norm[:, None]
    out = jnp.zeros((N, W.shape[1]), dtype=x.dtype).at[dst].add(msg)
    return out + b


def setup_inputs(seed: int = 0) -> dict:
    key = jax.random.key(seed)
    k1, k2, k3, k4, k5, k6, k7 = jax.random.split(key, 7)
    N, d_in, d_hid, d_out = 10000, 128, 128, 64
    E, E_lab = 320000, 20000
    x = jax.random.normal(k1, (N, d_in), dtype=jnp.float32)
    edge_index = jax.random.randint(k2, (2, E), 0, N, dtype=jnp.int64)
    edge_label_index = jax.random.randint(k3, (2, E_lab), 0, N, dtype=jnp.int64)
    # Glorot-style init for GCNConv weights, zero bias (PyG default)
    W1 = jax.random.normal(k4, (d_in, d_hid), dtype=jnp.float32) * (1.0 / np.sqrt(d_in))
    b1 = jnp.zeros((d_hid,), dtype=jnp.float32)
    W2 = jax.random.normal(k5, (d_hid, d_out), dtype=jnp.float32) * (1.0 / np.sqrt(d_hid))
    b2 = jnp.zeros((d_out,), dtype=jnp.float32)
    return {"x": x, "edge_index": edge_index, "edge_label_index": edge_label_index,
            "W1": W1, "b1": b1, "W2": W2, "b2": b2}


def reference(x, edge_index, edge_label_index, W1, b1, W2, b2):
    z = gcn_conv(x, edge_index, W1, b1)
    z = jax.nn.relu(z)
    z = gcn_conv(z, edge_index, W2, b2)
    # decode: dot product of endpoint embeddings
    logits = (z[edge_label_index[0]] * z[edge_label_index[1]]).sum(axis=-1)
    return logits

if __name__ == "__main__":
    import jax
    _d = setup_inputs()
    print(jax.jit(kernel)(*tuple(_d.values())))

</pallas_src>

<mosaic_0001>
#map = affine_map<(d0, d1) -> (0, 0)>
#map1 = affine_map<(d0, d1) -> (0, 0, 0)>
module attributes {stable_mosaic.version = 14 : i64} {
  func.func @k(%arg0: i32, %arg1: i32, %arg2: memref<10000x128xf32, #tpu.memory_space<hbm>>, %arg3: memref<32x5x128xi32, #tpu.memory_space<hbm>>, %arg4: memref<32x5x128xi32, #tpu.memory_space<hbm>>, %arg5: memref<20480x128xf32, #tpu.memory_space<hbm>>, %arg6: memref<20480x128xf32, #tpu.memory_space<hbm>>, %arg7: memref<5x128xi32, #tpu.memory_space<vmem>>, %arg8: memref<5x128xi32, #tpu.memory_space<vmem>>, %arg9: memref<128x128xf32, #tpu.memory_space<vmem>>, %arg10: memref<128x128xf32, #tpu.memory_space<vmem>>, %arg11: memref<!tpu.dma_semaphore, #tpu.memory_space<semaphore_mem>>, %arg12: memref<!tpu.dma_semaphore, #tpu.memory_space<semaphore_mem>>) attributes {dimension_semantics = [#tpu.dimension_semantics<core_parallel>, #tpu.dimension_semantics<subcore_parallel>], iteration_bounds = array<i64: 2, 16>, scalar_prefetch = 0 : i64, scratch_operands = 6 : i64, tpu.core_type = #tpu.core_type<sc_vector_subcore>, window_params = [{transform_indices = #map}, {transform_indices = #map1}, {transform_indices = #map1}, {transform_indices = #map}, {transform_indices = #map}]} {
    %mul3A = arith.constant 16 : i32
    %mul3A_0 = arith.muli %arg0, %mul3A : i32
    %add3A = arith.addi %mul3A_0, %arg1 : i32
    %eq3A = arith.constant 0 : i32
    %eq3A_1 = arith.cmpi eq, %arg0, %eq3A : i32
    %jit3A = arith.constant 5 : i32
    %jit3A_2 = arith.constant 5 : i32
    %select_n3A = arith.select %eq3A_1, %jit3A, %jit3A_2 : i32
    %eq3A_3 = arith.constant 0 : i32
    %eq3A_4 = arith.cmpi eq, %arg0, %eq3A_3 : i32
    %mul3A_5 = arith.constant 5 : i32
    %mul3A_6 = arith.muli %arg1, %mul3A_5 : i32
    %mul3A_7 = arith.constant 5 : i32
    %mul3A_8 = arith.muli %arg1, %mul3A_7 : i32
    %add3A_9 = arith.constant 80 : i32
    %add3A_10 = arith.addi %add3A_9, %mul3A_8 : i32
    %select_n3A_11 = arith.select %eq3A_4, %mul3A_6, %add3A_10 : i32
    %mul3A_12 = arith.constant 128 : i32
    %mul3A_13 = arith.muli %select_n3A_11, %mul3A_12 : i32
    "tpu.region"() ({
      %run_scoped3A = tpu.sem_alloc : memref<!tpu.dma_semaphore, #tpu.memory_space<semaphore_mem>>
      %dma_start3A = arith.constant 0 : i32
      %dma_start3A_19 = arith.constant 0 : i32
      %dma_start3A_20 = tpu.memref_slice %arg3[%add3A, %dma_start3A, %dma_start3A_19] : memref<32x5x128xi32, #tpu.memory_space<hbm>> -> memref<1x5x128xi32, #tpu.memory_space<hbm>>
      %dma_start3A_21 = tpu.memref_squeeze %dma_start3A_20 : memref<1x5x128xi32, #tpu.memory_space<hbm>> -> memref<5x128xi32, #tpu.memory_space<hbm>>
      %dma_start3A_22 = arith.constant 0 : i32
      %dma_start3A_23 = arith.constant 0 : i32
      %dma_start3A_24 = tpu.memref_slice %arg3[%add3A, %dma_start3A_22, %dma_start3A_23] : memref<32x5x128xi32, #tpu.memory_space<hbm>> -> memref<1x5x128xi32, #tpu.memory_space<hbm>>
      %dma_start3A_25 = tpu.memref_squeeze %dma_start3A_24 : memref<1x5x128xi32, #tpu.memory_space<hbm>> -> memref<5x128xi32, #tpu.memory_space<hbm>>
      tpu.enqueue_dma source(%dma_start3A_25 : memref<5x128xi32, #tpu.memory_space<hbm>>) target(%arg7 : memref<5x128xi32, #tpu.memory_space<vmem>>) target_semaphore(%run_scoped3A : memref<!tpu.dma_semaphore, #tpu.memory_space<semaphore_mem>>)
      %dma_wait3A = arith.constant 0 : i32
      %dma_wait3A_26 = arith.constant 0 : i32
      %dma_wait3A_27 = tpu.memref_slice %arg3[%add3A, %dma_wait3A, %dma_wait3A_26] : memref<32x5x128xi32, #tpu.memory_space<hbm>> -> memref<1x5x128xi32, #tpu.memory_space<hbm>>
      %dma_wait3A_28 = tpu.memref_squeeze %dma_wait3A_27 : memref<1x5x128xi32, #tpu.memory_space<hbm>> -> memref<5x128xi32, #tpu.memory_space<hbm>>
      %dma_wait3A_29 = arith.constant 0 : i32
      %dma_wait3A_30 = arith.constant 0 : i32
      %dma_wait3A_31 = tpu.memref_slice %arg3[%add3A, %dma_wait3A_29, %dma_wait3A_30] : memref<32x5x128xi32, #tpu.memory_space<hbm>> -> memref<1x5x128xi32, #tpu.memory_space<hbm>>
      %dma_wait3A_32 = tpu.memref_squeeze %dma_wait3A_31 : memref<1x5x128xi32, #tpu.memory_space<hbm>> -> memref<5x128xi32, #tpu.memory_space<hbm>>
      tpu.wait_dma2 semaphore(%run_scoped3A : memref<!tpu.dma_semaphore, #tpu.memory_space<semaphore_mem>>) src(%dma_wait3A_32 : memref<5x128xi32, #tpu.memory_space<hbm>>) dst(%arg7 : memref<5x128xi32, #tpu.memory_space<vmem>>)
      tpu.yield
    }) : () -> ()
    "tpu.region"() ({
      %run_scoped3A = tpu.sem_alloc : memref<!tpu.dma_semaphore, #tpu.memory_space<semaphore_mem>>
      %dma_start3A = arith.constant 0 : i32
      %dma_start3A_19 = arith.constant 0 : i32
      %dma_start3A_20 = tpu.memref_slice %arg4[%add3A, %dma_start3A, %dma_start3A_19] : memref<32x5x128xi32, #tpu.memory_space<hbm>> -> memref<1x5x128xi32, #tpu.memory_space<hbm>>
      %dma_start3A_21 = tpu.memref_squeeze %dma_start3A_20 : memref<1x5x128xi32, #tpu.memory_space<hbm>> -> memref<5x128xi32, #tpu.memory_space<hbm>>
      %dma_start3A_22 = arith.constant 0 : i32
      %dma_start3A_23 = arith.constant 0 : i32
      %dma_start3A_24 = tpu.memref_slice %arg4[%add3A, %dma_start3A_22, %dma_start3A_23] : memref<32x5x128xi32, #tpu.memory_space<hbm>> -> memref<1x5x128xi32, #tpu.memory_space<hbm>>
      %dma_start3A_25 = tpu.memref_squeeze %dma_start3A_24 : memref<1x5x128xi32, #tpu.memory_space<hbm>> -> memref<5x128xi32, #tpu.memory_space<hbm>>
      tpu.enqueue_dma source(%dma_start3A_25 : memref<5x128xi32, #tpu.memory_space<hbm>>) target(%arg8 : memref<5x128xi32, #tpu.memory_space<vmem>>) target_semaphore(%run_scoped3A : memref<!tpu.dma_semaphore, #tpu.memory_space<semaphore_mem>>)
      %dma_wait3A = arith.constant 0 : i32
      %dma_wait3A_26 = arith.constant 0 : i32
      %dma_wait3A_27 = tpu.memref_slice %arg4[%add3A, %dma_wait3A, %dma_wait3A_26] : memref<32x5x128xi32, #tpu.memory_space<hbm>> -> memref<1x5x128xi32, #tpu.memory_space<hbm>>
      %dma_wait3A_28 = tpu.memref_squeeze %dma_wait3A_27 : memref<1x5x128xi32, #tpu.memory_space<hbm>> -> memref<5x128xi32, #tpu.memory_space<hbm>>
      %dma_wait3A_29 = arith.constant 0 : i32
      %dma_wait3A_30 = arith.constant 0 : i32
      %dma_wait3A_31 = tpu.memref_slice %arg4[%add3A, %dma_wait3A_29, %dma_wait3A_30] : memref<32x5x128xi32, #tpu.memory_space<hbm>> -> memref<1x5x128xi32, #tpu.memory_space<hbm>>
      %dma_wait3A_32 = tpu.memref_squeeze %dma_wait3A_31 : memref<1x5x128xi32, #tpu.memory_space<hbm>> -> memref<5x128xi32, #tpu.memory_space<hbm>>
      tpu.wait_dma2 semaphore(%run_scoped3A : memref<!tpu.dma_semaphore, #tpu.memory_space<semaphore_mem>>) src(%dma_wait3A_32 : memref<5x128xi32, #tpu.memory_space<hbm>>) dst(%arg8 : memref<5x128xi32, #tpu.memory_space<vmem>>)
      tpu.yield
    }) : () -> ()
    %scan3A = arith.constant 0 : i32
    %scan3A_14 = arith.constant 0 : i32
    %scan3A_15 = arith.constant 5 : i32
    %scan3A_16 = arith.addi %scan3A_14, %scan3A_15 : i32
    %scan3A_17 = arith.constant 1 : i32
    scf.for %scan3A_19 = %scan3A_14 to %scan3A_16 step %scan3A_17  : i32 {
      %lt3A = arith.cmpi slt, %scan3A_19, %select_n3A : i32
      %convert_element_type3A = arith.extui %lt3A : i1 to i32
      %cond3A = arith.constant 0 : i32
      %cond3A_20 = arith.cmpi ne, %convert_element_type3A, %cond3A : i32
      scf.if %cond3A_20 {
        %dma_start3A = arith.constant 0 : i32
        %dma_start3A_21 = tpu.memref_slice %arg7[%scan3A_19, %dma_start3A] : memref<5x128xi32, #tpu.memory_space<vmem>> -> memref<1x128xi32, #tpu.memory_space<vmem>>
        %dma_start3A_22 = tpu.memref_squeeze %dma_start3A_21 : memref<1x128xi32, #tpu.memory_space<vmem>> -> memref<128xi32, #tpu.memory_space<vmem>>
        %dma_start3A_23 = arith.constant 0 : i32
        %dma_start3A_24 = arith.constant 0 : i32
        %dma_start3A_25 = tpu.memref_slice %arg2[%dma_start3A_23, %dma_start3A_24] : memref<10000x128xf32, #tpu.memory_space<hbm>> -> memref<10000x128xf32, #tpu.memory_space<hbm>>
        tpu.enqueue_indirect_dma source(%dma_start3A_25 : memref<10000x128xf32, #tpu.memory_space<hbm>>) target(%arg9 : memref<128x128xf32, #tpu.memory_space<vmem>>) offsets(%dma_start3A_22 : memref<128xi32, #tpu.memory_space<vmem>>) semaphore(%arg11 : memref<!tpu.dma_semaphore, #tpu.memory_space<semaphore_mem>>)
        %dma_start3A_26 = arith.constant 0 : i32
        %dma_start3A_27 = tpu.memref_slice %arg8[%scan3A_19, %dma_start3A_26] : memref<5x128xi32, #tpu.memory_space<vmem>> -> memref<1x128xi32, #tpu.memory_space<vmem>>
        %dma_start3A_28 = tpu.memref_squeeze %dma_start3A_27 : memref<1x128xi32, #tpu.memory_space<vmem>> -> memref<128xi32, #tpu.memory_space<vmem>>
        %dma_start3A_29 = arith.constant 0 : i32
        %dma_start3A_30 = arith.constant 0 : i32
        %dma_start3A_31 = tpu.memref_slice %arg2[%dma_start3A_29, %dma_start3A_30] : memref<10000x128xf32, #tpu.memory_space<hbm>> -> memref<10000x128xf32, #tpu.memory_space<hbm>>
        tpu.enqueue_indirect_dma source(%dma_start3A_31 : memref<10000x128xf32, #tpu.memory_space<hbm>>) target(%arg10 : memref<128x128xf32, #tpu.memory_space<vmem>>) offsets(%dma_start3A_28 : memref<128xi32, #tpu.memory_space<vmem>>) semaphore(%arg12 : memref<!tpu.dma_semaphore, #tpu.memory_space<semaphore_mem>>)
        %dma_wait3A = arith.constant 0 : i32
        %dma_wait3A_32 = tpu.memref_slice %arg7[%scan3A_19, %dma_wait3A] : memref<5x128xi32, #tpu.memory_space<vmem>> -> memref<1x128xi32, #tpu.memory_space<vmem>>
        %dma_wait3A_33 = tpu.memref_squeeze %dma_wait3A_32 : memref<1x128xi32, #tpu.memory_space<vmem>> -> memref<128xi32, #tpu.memory_space<vmem>>
        %dma_wait3A_34 = arith.constant 0 : i32
        %dma_wait3A_35 = arith.constant 0 : i32
        %dma_wait3A_36 = tpu.memref_slice %arg2[%dma_wait3A_34, %dma_wait3A_35] : memref<10000x128xf32, #tpu.memory_space<hbm>> -> memref<10000x128xf32, #tpu.memory_space<hbm>>
        tpu.wait_indirect_dma semaphore(%arg11 : memref<!tpu.dma_semaphore, #tpu.memory_space<semaphore_mem>>) src(%dma_wait3A_36 : memref<10000x128xf32, #tpu.memory_space<hbm>>) dst(%arg9 : memref<128x128xf32, #tpu.memory_space<vmem>>)
        %dma_wait3A_37 = arith.constant 0 : i32
        %dma_wait3A_38 = tpu.memref_slice %arg8[%scan3A_19, %dma_wait3A_37] : memref<5x128xi32, #tpu.memory_space<vmem>> -> memref<1x128xi32, #tpu.memory_space<vmem>>
        %dma_wait3A_39 = tpu.memref_squeeze %dma_wait3A_38 : memref<1x128xi32, #tpu.memory_space<vmem>> -> memref<128xi32, #tpu.memory_space<vmem>>
        %dma_wait3A_40 = arith.constant 0 : i32
        %dma_wait3A_41 = arith.constant 0 : i32
        %dma_wait3A_42 = tpu.memref_slice %arg2[%dma_wait3A_40, %dma_wait3A_41] : memref<10000x128xf32, #tpu.memory_space<hbm>> -> memref<10000x128xf32, #tpu.memory_space<hbm>>
        tpu.wait_indirect_dma semaphore(%arg12 : memref<!tpu.dma_semaphore, #tpu.memory_space<semaphore_mem>>) src(%dma_wait3A_42 : memref<10000x128xf32, #tpu.memory_space<hbm>>) dst(%arg10 : memref<128x128xf32, #tpu.memory_space<vmem>>)
        %mul3A_43 = arith.constant 128 : i32
        %mul3A_44 = arith.muli %scan3A_19, %mul3A_43 : i32
        %add3A_45 = arith.addi %mul3A_13, %mul3A_44 : i32
        "tpu.region"() ({
          %run_scoped3A = tpu.sem_alloc : memref<!tpu.dma_semaphore, #tpu.memory_space<semaphore_mem>>
          %dma_start3A_49 = arith.constant 0 : i32
          %dma_start3A_50 = tpu.memref_slice %arg5[%add3A_45, %dma_start3A_49] : memref<20480x128xf32, #tpu.memory_space<hbm>> -> memref<128x128xf32, #tpu.memory_space<hbm>>
          %dma_start3A_51 = arith.constant 0 : i32
          %dma_start3A_52 = tpu.memref_slice %arg5[%add3A_45, %dma_start3A_51] : memref<20480x128xf32, #tpu.memory_space<hbm>> -> memref<128x128xf32, #tpu.memory_space<hbm>>
          tpu.enqueue_dma source(%arg9 : memref<128x128xf32, #tpu.memory_space<vmem>>) target(%dma_start3A_52 : memref<128x128xf32, #tpu.memory_space<hbm>>) target_semaphore(%run_scoped3A : memref<!tpu.dma_semaphore, #tpu.memory_space<semaphore_mem>>)
          %dma_wait3A_53 = arith.constant 0 : i32
          %dma_wait3A_54 = tpu.memref_slice %arg5[%add3A_45, %dma_wait3A_53] : memref<20480x128xf32, #tpu.memory_space<hbm>> -> memref<128x128xf32, #tpu.memory_space<hbm>>
          %dma_wait3A_55 = arith.constant 0 : i32
          %dma_wait3A_56 = tpu.memref_slice %arg5[%add3A_45, %dma_wait3A_55] : memref<20480x128xf32, #tpu.memory_space<hbm>> -> memref<128x128xf32, #tpu.memory_space<hbm>>
          tpu.wait_dma2 semaphore(%run_scoped3A : memref<!tpu.dma_semaphore, #tpu.memory_space<semaphore_mem>>) src(%arg9 : memref<128x128xf32, #tpu.memory_space<vmem>>) dst(%dma_wait3A_56 : memref<128x128xf32, #tpu.memory_space<hbm>>)
          tpu.yield
        }) : () -> ()
        %mul3A_46 = arith.constant 128 : i32
        %mul3A_47 = arith.muli %scan3A_19, %mul3A_46 : i32
        %add3A_48 = arith.addi %mul3A_13, %mul3A_47 : i32
        "tpu.region"() ({
          %run_scoped3A = tpu.sem_alloc : memref<!tpu.dma_semaphore, #tpu.memory_space<semaphore_mem>>
          %dma_start3A_49 = arith.constant 0 : i32
          %dma_start3A_50 = tpu.memref_slice %arg6[%add3A_48, %dma_start3A_49] : memref<20480x128xf32, #tpu.memory_space<hbm>> -> memref<128x128xf32, #tpu.memory_space<hbm>>
          %dma_start3A_51 = arith.constant 0 : i32
          %dma_start3A_52 = tpu.memref_slice %arg6[%add3A_48, %dma_start3A_51] : memref<20480x128xf32, #tpu.memory_space<hbm>> -> memref<128x128xf32, #tpu.memory_space<hbm>>
          tpu.enqueue_dma source(%arg10 : memref<128x128xf32, #tpu.memory_space<vmem>>) target(%dma_start3A_52 : memref<128x128xf32, #tpu.memory_space<hbm>>) target_semaphore(%run_scoped3A : memref<!tpu.dma_semaphore, #tpu.memory_space<semaphore_mem>>)
          %dma_wait3A_53 = arith.constant 0 : i32
          %dma_wait3A_54 = tpu.memref_slice %arg6[%add3A_48, %dma_wait3A_53] : memref<20480x128xf32, #tpu.memory_space<hbm>> -> memref<128x128xf32, #tpu.memory_space<hbm>>
          %dma_wait3A_55 = arith.constant 0 : i32
          %dma_wait3A_56 = tpu.memref_slice %arg6[%add3A_48, %dma_wait3A_55] : memref<20480x128xf32, #tpu.memory_space<hbm>> -> memref<128x128xf32, #tpu.memory_space<hbm>>
          tpu.wait_dma2 semaphore(%run_scoped3A : memref<!tpu.dma_semaphore, #tpu.memory_space<semaphore_mem>>) src(%arg10 : memref<128x128xf32, #tpu.memory_space<vmem>>) dst(%dma_wait3A_56 : memref<128x128xf32, #tpu.memory_space<hbm>>)
          tpu.yield
        }) : () -> ()
      } else {
      }
    }
    %scan3A_18 = arith.constant 5 : i32
    return
  }
}

#map = affine_map<(d0, d1) -> (0, 0)>
#map1 = affine_map<(d0, d1) -> (0, 0, 0)>
module attributes {stable_mosaic.version = 14 : i64} {
  func.func @k(%arg0: i32, %arg1: i32, %arg2: memref<10000x128xf32, #tpu.memory_space<hbm>>, %arg3: memref<32x112x128xi32, #tpu.memory_space<hbm>>, %arg4: memref<32x112x128xi32, #tpu.memory_space<hbm>>, %arg5: memref<10112x128xf32, #tpu.memory_space<hbm>>, %arg6: memref<2x10112x128xf32, #tpu.memory_space<hbm>>, %arg7: memref<10112x128xf32, #tpu.memory_space<vmem_shared>>, %arg8: memref<112x128xi32, #tpu.memory_space<vmem>>, %arg9: memref<112x128xi32, #tpu.memory_space<vmem>>, %arg10: memref<128x128xf32, #tpu.memory_space<vmem>>, %arg11: memref<!tpu.dma_semaphore, #tpu.memory_space<semaphore_mem>>) attributes {dimension_semantics = [#tpu.dimension_semantics<core_parallel>, #tpu.dimension_semantics<subcore_parallel>], iteration_bounds = array<i64: 2, 16>, scalar_prefetch = 0 : i64, scratch_operands = 5 : i64, tpu.core_type = #tpu.core_type<sc_vector_subcore>, window_params = [{transform_indices = #map}, {transform_indices = #map1}, {transform_indices = #map1}, {transform_indices = #map}, {transform_indices = #map1}]} {
    %mul3A = arith.constant 16 : i32
    %mul3A_0 = arith.muli %arg0, %mul3A : i32
    %add3A = arith.addi %mul3A_0, %arg1 : i32
    %mul3A_1 = arith.constant 632 : i32
    %mul3A_2 = arith.muli %arg1, %mul3A_1 : i32
    %mul3A_3 = arith.constant 632 : i32
    %mul3A_4 = arith.muli %arg1, %mul3A_3 : i32
    "tpu.region"() ({
      %run_scoped3A = tpu.sem_alloc : memref<!tpu.dma_semaphore, #tpu.memory_space<semaphore_mem>>
      %dma_start3A = arith.constant 0 : i32
      %dma_start3A_17 = tpu.memref_slice %arg7[%mul3A_4, %dma_start3A] : memref<10112x128xf32, #tpu.memory_space<vmem_shared>> -> memref<632x128xf32, #tpu.memory_space<vmem_shared>>
      %dma_start3A_18 = arith.constant 0 : i32
      %dma_start3A_19 = tpu.memref_slice %arg5[%mul3A_2, %dma_start3A_18] : memref<10112x128xf32, #tpu.memory_space<hbm>> -> memref<632x128xf32, #tpu.memory_space<hbm>>
      tpu.enqueue_dma source(%dma_start3A_19 : memref<632x128xf32, #tpu.memory_space<hbm>>) target(%dma_start3A_17 : memref<632x128xf32, #tpu.memory_space<vmem_shared>>) target_semaphore(%run_scoped3A : memref<!tpu.dma_semaphore, #tpu.memory_space<semaphore_mem>>)
      %dma_wait3A = arith.constant 0 : i32
      %dma_wait3A_20 = tpu.memref_slice %arg7[%mul3A_4, %dma_wait3A] : memref<10112x128xf32, #tpu.memory_space<vmem_shared>> -> memref<632x128xf32, #tpu.memory_space<vmem_shared>>
      %dma_wait3A_21 = arith.constant 0 : i32
      %dma_wait3A_22 = tpu.memref_slice %arg5[%mul3A_2, %dma_wait3A_21] : memref<10112x128xf32, #tpu.memory_space<hbm>> -> memref<632x128xf32, #tpu.memory_space<hbm>>
      tpu.wait_dma2 semaphore(%run_scoped3A : memref<!tpu.dma_semaphore, #tpu.memory_space<semaphore_mem>>) src(%dma_wait3A_22 : memref<632x128xf32, #tpu.memory_space<hbm>>) dst(%dma_wait3A_20 : memref<632x128xf32, #tpu.memory_space<vmem_shared>>)
      tpu.yield
    }) : () -> ()
    "tpu.region"() ({
      %run_scoped3A = tpu.sem_alloc : memref<!tpu.dma_semaphore, #tpu.memory_space<semaphore_mem>>
      %dma_start3A = arith.constant 0 : i32
      %dma_start3A_17 = arith.constant 0 : i32
      %dma_start3A_18 = tpu.memref_slice %arg3[%add3A, %dma_start3A, %dma_start3A_17] : memref<32x112x128xi32, #tpu.memory_space<hbm>> -> memref<1x112x128xi32, #tpu.memory_space<hbm>>
      %dma_start3A_19 = tpu.memref_squeeze %dma_start3A_18 : memref<1x112x128xi32, #tpu.memory_space<hbm>> -> memref<112x128xi32, #tpu.memory_space<hbm>>
      %dma_start3A_20 = arith.constant 0 : i32
      %dma_start3A_21 = arith.constant 0 : i32
      %dma_start3A_22 = tpu.memref_slice %arg3[%add3A, %dma_start3A_20, %dma_start3A_21] : memref<32x112x128xi32, #tpu.memory_space<hbm>> -> memref<1x112x128xi32, #tpu.memory_space<hbm>>
      %dma_start3A_23 = tpu.memref_squeeze %dma_start3A_22 : memref<1x112x128xi32, #tpu.memory_space<hbm>> -> memref<112x128xi32, #tpu.memory_space<hbm>>
      tpu.enqueue_dma source(%dma_start3A_23 : memref<112x128xi32, #tpu.memory_space<hbm>>) target(%arg8 : memref<112x128xi32, #tpu.memory_space<vmem>>) target_semaphore(%run_scoped3A : memref<!tpu.dma_semaphore, #tpu.memory_space<semaphore_mem>>)
      %dma_wait3A = arith.constant 0 : i32
      %dma_wait3A_24 = arith.constant 0 : i32
      %dma_wait3A_25 = tpu.memref_slice %arg3[%add3A, %dma_wait3A, %dma_wait3A_24] : memref<32x112x128xi32, #tpu.memory_space<hbm>> -> memref<1x112x128xi32, #tpu.memory_space<hbm>>
      %dma_wait3A_26 = tpu.memref_squeeze %dma_wait3A_25 : memref<1x112x128xi32, #tpu.memory_space<hbm>> -> memref<112x128xi32, #tpu.memory_space<hbm>>
      %dma_wait3A_27 = arith.constant 0 : i32
      %dma_wait3A_28 = arith.constant 0 : i32
      %dma_wait3A_29 = tpu.memref_slice %arg3[%add3A, %dma_wait3A_27, %dma_wait3A_28] : memref<32x112x128xi32, #tpu.memory_space<hbm>> -> memref<1x112x128xi32, #tpu.memory_space<hbm>>
      %dma_wait3A_30 = tpu.memref_squeeze %dma_wait3A_29 : memref<1x112x128xi32, #tpu.memory_space<hbm>> -> memref<112x128xi32, #tpu.memory_space<hbm>>
      tpu.wait_dma2 semaphore(%run_scoped3A : memref<!tpu.dma_semaphore, #tpu.memory_space<semaphore_mem>>) src(%dma_wait3A_30 : memref<112x128xi32, #tpu.memory_space<hbm>>) dst(%arg8 : memref<112x128xi32, #tpu.memory_space<vmem>>)
      tpu.yield
    }) : () -> ()
    "tpu.region"() ({
      %run_scoped3A = tpu.sem_alloc : memref<!tpu.dma_semaphore, #tpu.memory_space<semaphore_mem>>
      %dma_start3A = arith.constant 0 : i32
      %dma_start3A_17 = arith.constant 0 : i32
      %dma_start3A_18 = tpu.memref_slice %arg4[%add3A, %dma_start3A, %dma_start3A_17] : memref<32x112x128xi32, #tpu.memory_space<hbm>> -> memref<1x112x128xi32, #tpu.memory_space<hbm>>
      %dma_start3A_19 = tpu.memref_squeeze %dma_start3A_18 : memref<1x112x128xi32, #tpu.memory_space<hbm>> -> memref<112x128xi32, #tpu.memory_space<hbm>>
      %dma_start3A_20 = arith.constant 0 : i32
      %dma_start3A_21 = arith.constant 0 : i32
      %dma_start3A_22 = tpu.memref_slice %arg4[%add3A, %dma_start3A_20, %dma_start3A_21] : memref<32x112x128xi32, #tpu.memory_space<hbm>> -> memref<1x112x128xi32, #tpu.memory_space<hbm>>
      %dma_start3A_23 = tpu.memref_squeeze %dma_start3A_22 : memref<1x112x128xi32, #tpu.memory_space<hbm>> -> memref<112x128xi32, #tpu.memory_space<hbm>>
      tpu.enqueue_dma source(%dma_start3A_23 : memref<112x128xi32, #tpu.memory_space<hbm>>) target(%arg9 : memref<112x128xi32, #tpu.memory_space<vmem>>) target_semaphore(%run_scoped3A : memref<!tpu.dma_semaphore, #tpu.memory_space<semaphore_mem>>)
      %dma_wait3A = arith.constant 0 : i32
      %dma_wait3A_24 = arith.constant 0 : i32
      %dma_wait3A_25 = tpu.memref_slice %arg4[%add3A, %dma_wait3A, %dma_wait3A_24] : memref<32x112x128xi32, #tpu.memory_space<hbm>> -> memref<1x112x128xi32, #tpu.memory_space<hbm>>
      %dma_wait3A_26 = tpu.memref_squeeze %dma_wait3A_25 : memref<1x112x128xi32, #tpu.memory_space<hbm>> -> memref<112x128xi32, #tpu.memory_space<hbm>>
      %dma_wait3A_27 = arith.constant 0 : i32
      %dma_wait3A_28 = arith.constant 0 : i32
      %dma_wait3A_29 = tpu.memref_slice %arg4[%add3A, %dma_wait3A_27, %dma_wait3A_28] : memref<32x112x128xi32, #tpu.memory_space<hbm>> -> memref<1x112x128xi32, #tpu.memory_space<hbm>>
      %dma_wait3A_30 = tpu.memref_squeeze %dma_wait3A_29 : memref<1x112x128xi32, #tpu.memory_space<hbm>> -> memref<112x128xi32, #tpu.memory_space<hbm>>
      tpu.wait_dma2 semaphore(%run_scoped3A : memref<!tpu.dma_semaphore, #tpu.memory_space<semaphore_mem>>) src(%dma_wait3A_30 : memref<112x128xi32, #tpu.memory_space<hbm>>) dst(%arg9 : memref<112x128xi32, #tpu.memory_space<vmem>>)
      tpu.yield
    }) : () -> ()
    %barrier3A = arith.constant 0 : index
    tpu.barrier barrier_id(%barrier3A)
    %eq3A = arith.constant 0 : i32
    %eq3A_5 = arith.cmpi eq, %arg0, %eq3A : i32
    %jit3A = arith.constant 45 : i32
    %jit3A_6 = arith.constant 112 : i32
    %select_n3A = arith.select %eq3A_5, %jit3A, %jit3A_6 : i32
    %scan3A = arith.constant 0 : i32
    %scan3A_7 = arith.constant 0 : i32
    %scan3A_8 = arith.constant 112 : i32
    %scan3A_9 = arith.addi %scan3A_7, %scan3A_8 : i32
    %scan3A_10 = arith.constant 1 : i32
    scf.for %scan3A_17 = %scan3A_7 to %scan3A_9 step %scan3A_10  : i32 {
      %lt3A = arith.cmpi slt, %scan3A_17, %select_n3A : i32
      %convert_element_type3A = arith.extui %lt3A : i1 to i32
      %cond3A = arith.constant 0 : i32
      %cond3A_18 = arith.cmpi ne, %convert_element_type3A, %cond3A : i32
      scf.if %cond3A_18 {
        %dma_start3A = arith.constant 0 : i32
        %dma_start3A_19 = tpu.memref_slice %arg8[%scan3A_17, %dma_start3A] : memref<112x128xi32, #tpu.memory_space<vmem>> -> memref<1x128xi32, #tpu.memory_space<vmem>>
        %dma_start3A_20 = tpu.memref_squeeze %dma_start3A_19 : memref<1x128xi32, #tpu.memory_space<vmem>> -> memref<128xi32, #tpu.memory_space<vmem>>
        %dma_start3A_21 = arith.constant 0 : i32
        %dma_start3A_22 = arith.constant 0 : i32
        %dma_start3A_23 = tpu.memref_slice %arg2[%dma_start3A_21, %dma_start3A_22] : memref<10000x128xf32, #tpu.memory_space<hbm>> -> memref<10000x128xf32, #tpu.memory_space<hbm>>
        tpu.enqueue_indirect_dma source(%dma_start3A_23 : memref<10000x128xf32, #tpu.memory_space<hbm>>) target(%arg10 : memref<128x128xf32, #tpu.memory_space<vmem>>) offsets(%dma_start3A_20 : memref<128xi32, #tpu.memory_space<vmem>>) semaphore(%arg11 : memref<!tpu.dma_semaphore, #tpu.memory_space<semaphore_mem>>)
        %dma_wait3A = arith.constant 0 : i32
        %dma_wait3A_24 = tpu.memref_slice %arg8[%scan3A_17, %dma_wait3A] : memref<112x128xi32, #tpu.memory_space<vmem>> -> memref<1x128xi32, #tpu.memory_space<vmem>>
        %dma_wait3A_25 = tpu.memref_squeeze %dma_wait3A_24 : memref<1x128xi32, #tpu.memory_space<vmem>> -> memref<128xi32, #tpu.memory_space<vmem>>
        %dma_wait3A_26 = arith.constant 0 : i32
        %dma_wait3A_27 = arith.constant 0 : i32
        %dma_wait3A_28 = tpu.memref_slice %arg2[%dma_wait3A_26, %dma_wait3A_27] : memref<10000x128xf32, #tpu.memory_space<hbm>> -> memref<10000x128xf32, #tpu.memory_space<hbm>>
        tpu.wait_indirect_dma semaphore(%arg11 : memref<!tpu.dma_semaphore, #tpu.memory_space<semaphore_mem>>) src(%dma_wait3A_28 : memref<10000x128xf32, #tpu.memory_space<hbm>>) dst(%arg10 : memref<128x128xf32, #tpu.memory_space<vmem>>)
        "tpu.region"() ({
          %run_scoped3A = tpu.sem_alloc : memref<!tpu.dma_semaphore, #tpu.memory_space<semaphore_mem>>
          %dma_start3A_29 = arith.constant 0 : i32
          %dma_start3A_30 = tpu.memref_slice %arg9[%scan3A_17, %dma_start3A_29] : memref<112x128xi32, #tpu.memory_space<vmem>> -> memref<1x128xi32, #tpu.memory_space<vmem>>
          %dma_start3A_31 = tpu.memref_squeeze %dma_start3A_30 : memref<1x128xi32, #tpu.memory_space<vmem>> -> memref<128xi32, #tpu.memory_space<vmem>>
          %dma_start3A_32 = arith.constant 0 : i32
          %dma_start3A_33 = arith.constant 0 : i32
          %dma_start3A_34 = tpu.memref_slice %arg7[%dma_start3A_32, %dma_start3A_33] : memref<10112x128xf32, #tpu.memory_space<vmem_shared>> -> memref<10112x128xf32, #tpu.memory_space<vmem_shared>>
          tpu.enqueue_indirect_dma source(%arg10 : memref<128x128xf32, #tpu.memory_space<vmem>>) target(%dma_start3A_34 : memref<10112x128xf32, #tpu.memory_space<vmem_shared>>) offsets(%dma_start3A_31 : memref<128xi32, #tpu.memory_space<vmem>>) semaphore(%run_scoped3A : memref<!tpu.dma_semaphore, #tpu.memory_space<semaphore_mem>>) {add = true}
          %dma_wait3A_35 = arith.constant 0 : i32
          %dma_wait3A_36 = tpu.memref_slice %arg9[%scan3A_17, %dma_wait3A_35] : memref<112x128xi32, #tpu.memory_space<vmem>> -> memref<1x128xi32, #tpu.memory_space<vmem>>
          %dma_wait3A_37 = tpu.memref_squeeze %dma_wait3A_36 : memref<1x128xi32, #tpu.memory_space<vmem>> -> memref<128xi32, #tpu.memory_space<vmem>>
          %dma_wait3A_38 = arith.constant 0 : i32
          %dma_wait3A_39 = arith.constant 0 : i32
          %dma_wait3A_40 = tpu.memref_slice %arg7[%dma_wait3A_38, %dma_wait3A_39] : memref<10112x128xf32, #tpu.memory_space<vmem_shared>> -> memref<10112x128xf32, #tpu.memory_space<vmem_shared>>
          tpu.wait_indirect_dma semaphore(%run_scoped3A : memref<!tpu.dma_semaphore, #tpu.memory_space<semaphore_mem>>) src(%arg10 : memref<128x128xf32, #tpu.memory_space<vmem>>) dst(%dma_wait3A_40 : memref<10112x128xf32, #tpu.memory_space<vmem_shared>>)
          tpu.yield
        }) : () -> ()
      } else {
      }
    }
    %scan3A_11 = arith.constant 112 : i32
    %barrier3A_12 = arith.constant 0 : index
    tpu.barrier barrier_id(%barrier3A_12)
    %mul3A_13 = arith.constant 632 : i32
    %mul3A_14 = arith.muli %arg1, %mul3A_13 : i32
    %mul3A_15 = arith.constant 632 : i32
    %mul3A_16 = arith.muli %arg1, %mul3A_15 : i32
    "tpu.region"() ({
      %run_scoped3A = tpu.sem_alloc : memref<!tpu.dma_semaphore, #tpu.memory_space<semaphore_mem>>
      %dma_start3A = arith.constant 0 : i32
      %dma_start3A_17 = tpu.memref_slice %arg6[%arg0, %mul3A_16, %dma_start3A] : memref<2x10112x128xf32, #tpu.memory_space<hbm>> -> memref<1x632x128xf32, #tpu.memory_space<hbm>>
      %dma_start3A_18 = tpu.memref_squeeze %dma_start3A_17 : memref<1x632x128xf32, #tpu.memory_space<hbm>> -> memref<632x128xf32, #tpu.memory_space<hbm>>
      %dma_start3A_19 = arith.constant 0 : i32
      %dma_start3A_20 = tpu.memref_slice %arg7[%mul3A_14, %dma_start3A_19] : memref<10112x128xf32, #tpu.memory_space<vmem_shared>> -> memref<632x128xf32, #tpu.memory_space<vmem_shared>>
      tpu.enqueue_dma source(%dma_start3A_20 : memref<632x128xf32, #tpu.memory_space<vmem_shared>>) target(%dma_start3A_18 : memref<632x128xf32, #tpu.memory_space<hbm>>) target_semaphore(%run_scoped3A : memref<!tpu.dma_semaphore, #tpu.memory_space<semaphore_mem>>)
      %dma_wait3A = arith.constant 0 : i32
      %dma_wait3A_21 = tpu.memref_slice %arg6[%arg0, %mul3A_16, %dma_wait3A] : memref<2x10112x128xf32, #tpu.memory_space<hbm>> -> memref<1x632x128xf32, #tpu.memory_space<hbm>>
      %dma_wait3A_22 = tpu.memref_squeeze %dma_wait3A_21 : memref<1x632x128xf32, #tpu.memory_space<hbm>> -> memref<632x128xf32, #tpu.memory_space<hbm>>
      %dma_wait3A_23 = arith.constant 0 : i32
      %dma_wait3A_24 = tpu.memref_slice %arg7[%mul3A_14, %dma_wait3A_23] : memref<10112x128xf32, #tpu.memory_space<vmem_shared>> -> memref<632x128xf32, #tpu.memory_space<vmem_shared>>
      tpu.wait_dma2 semaphore(%run_scoped3A : memref<!tpu.dma_semaphore, #tpu.memory_space<semaphore_mem>>) src(%dma_wait3A_24 : memref<632x128xf32, #tpu.memory_space<vmem_shared>>) dst(%dma_wait3A_22 : memref<632x128xf32, #tpu.memory_space<hbm>>)
      tpu.yield
    }) : () -> ()
    return
  }
}

#map = affine_map<(d0, d1) -> (0, 0)>
#map1 = affine_map<(d0, d1) -> (0)>
module attributes {stable_mosaic.version = 14 : i64} {
  func.func @k(%arg0: i32, %arg1: i32, %arg2: memref<32x14336xi32, #tpu.memory_space<hbm>>, %arg3: memref<10112xf32, #tpu.memory_space<hbm>>, %arg4: memref<32x10112xf32, #tpu.memory_space<hbm>>, %arg5: memref<14336xi32, #tpu.memory_space<vmem>>, %arg6: memref<10112xf32, #tpu.memory_space<vmem>>) attributes {dimension_semantics = [#tpu.dimension_semantics<core_parallel>, #tpu.dimension_semantics<subcore_parallel>], iteration_bounds = array<i64: 2, 16>, scalar_prefetch = 0 : i64, scratch_operands = 2 : i64, tpu.core_type = #tpu.core_type<sc_vector_subcore>, window_params = [{transform_indices = #map}, {transform_indices = #map1}, {transform_indices = #map}]} {
    %mul3A = arith.constant 16 : i32
    %mul3A_0 = arith.muli %arg0, %mul3A : i32
    %add3A = arith.addi %mul3A_0, %arg1 : i32
    "tpu.region"() ({
      %run_scoped3A = tpu.sem_alloc : memref<!tpu.dma_semaphore, #tpu.memory_space<semaphore_mem>>
      tpu.enqueue_dma source(%arg3 : memref<10112xf32, #tpu.memory_space<hbm>>) target(%arg6 : memref<10112xf32, #tpu.memory_space<vmem>>) target_semaphore(%run_scoped3A : memref<!tpu.dma_semaphore, #tpu.memory_space<semaphore_mem>>)
      tpu.wait_dma2 semaphore(%run_scoped3A : memref<!tpu.dma_semaphore, #tpu.memory_space<semaphore_mem>>) src(%arg3 : memref<10112xf32, #tpu.memory_space<hbm>>) dst(%arg6 : memref<10112xf32, #tpu.memory_space<vmem>>)
      tpu.yield
    }) : () -> ()
    "tpu.region"() ({
      %run_scoped3A = tpu.sem_alloc : memref<!tpu.dma_semaphore, #tpu.memory_space<semaphore_mem>>
      %dma_start3A = arith.constant 0 : i32
      %dma_start3A_7 = tpu.memref_slice %arg2[%add3A, %dma_start3A] : memref<32x14336xi32, #tpu.memory_space<hbm>> -> memref<1x14336xi32, #tpu.memory_space<hbm>>
      %dma_start3A_8 = tpu.memref_squeeze %dma_start3A_7 : memref<1x14336xi32, #tpu.memory_space<hbm>> -> memref<14336xi32, #tpu.memory_space<hbm>>
      %dma_start3A_9 = arith.constant 0 : i32
      %dma_start3A_10 = tpu.memref_slice %arg2[%add3A, %dma_start3A_9] : memref<32x14336xi32, #tpu.memory_space<hbm>> -> memref<1x14336xi32, #tpu.memory_space<hbm>>
      %dma_start3A_11 = tpu.memref_squeeze %dma_start3A_10 : memref<1x14336xi32, #tpu.memory_space<hbm>> -> memref<14336xi32, #tpu.memory_space<hbm>>
      tpu.enqueue_dma source(%dma_start3A_11 : memref<14336xi32, #tpu.memory_space<hbm>>) target(%arg5 : memref<14336xi32, #tpu.memory_space<vmem>>) target_semaphore(%run_scoped3A : memref<!tpu.dma_semaphore, #tpu.memory_space<semaphore_mem>>)
      %dma_wait3A = arith.constant 0 : i32
      %dma_wait3A_12 = tpu.memref_slice %arg2[%add3A, %dma_wait3A] : memref<32x14336xi32, #tpu.memory_space<hbm>> -> memref<1x14336xi32, #tpu.memory_space<hbm>>
      %dma_wait3A_13 = tpu.memref_squeeze %dma_wait3A_12 : memref<1x14336xi32, #tpu.memory_space<hbm>> -> memref<14336xi32, #tpu.memory_space<hbm>>
      %dma_wait3A_14 = arith.constant 0 : i32
      %dma_wait3A_15 = tpu.memref_slice %arg2[%add3A, %dma_wait3A_14] : memref<32x14336xi32, #tpu.memory_space<hbm>> -> memref<1x14336xi32, #tpu.memory_space<hbm>>
      %dma_wait3A_16 = tpu.memref_squeeze %dma_wait3A_15 : memref<1x14336xi32, #tpu.memory_space<hbm>> -> memref<14336xi32, #tpu.memory_space<hbm>>
      tpu.wait_dma2 semaphore(%run_scoped3A : memref<!tpu.dma_semaphore, #tpu.memory_space<semaphore_mem>>) src(%dma_wait3A_16 : memref<14336xi32, #tpu.memory_space<hbm>>) dst(%arg5 : memref<14336xi32, #tpu.memory_space<vmem>>)
      tpu.yield
    }) : () -> ()
    %broadcast_in_dim3A = arith.constant 1.000000e+00 : f32
    %broadcast_in_dim3A_1 = vector.broadcast %broadcast_in_dim3A : f32 to vector<16xf32>
    %scan3A = arith.constant 0 : i32
    %scan3A_2 = arith.constant 0 : i32
    %scan3A_3 = arith.constant 896 : i32
    %scan3A_4 = arith.addi %scan3A_2, %scan3A_3 : i32
    %scan3A_5 = arith.constant 1 : i32
    scf.for %scan3A_7 = %scan3A_2 to %scan3A_4 step %scan3A_5  : i32 {
      %mul3A_8 = arith.constant 16 : i32
      %mul3A_9 = arith.muli %scan3A_7, %mul3A_8 : i32
      %get3A = arith.index_cast %mul3A_9 : i32 to index
      %get3A_10 = tpu.vector_load %arg5[%get3A] {strides = array<i32>} : memref<14336xi32, #tpu.memory_space<vmem>>, vector<16xi32>,
      tpu.vector_store_idx %arg6[%get3A_10], %broadcast_in_dim3A_1 {add = true} : memref<10112xf32, #tpu.memory_space<vmem>>[vector<16xi32>], vector<16xf32>,
    }
    %scan3A_6 = arith.constant 896 : i32
    "tpu.region"() ({
      %run_scoped3A = tpu.sem_alloc : memref<!tpu.dma_semaphore, #tpu.memory_space<semaphore_mem>>
      %dma_start3A = arith.constant 0 : i32
      %dma_start3A_7 = tpu.memref_slice %arg4[%add3A, %dma_start3A] : memref<32x10112xf32, #tpu.memory_space<hbm>> -> memref<1x10112xf32, #tpu.memory_space<hbm>>
      %dma_start3A_8 = tpu.memref_squeeze %dma_start3A_7 : memref<1x10112xf32, #tpu.memory_space<hbm>> -> memref<10112xf32, #tpu.memory_space<hbm>>
      %dma_start3A_9 = arith.constant 0 : i32
      %dma_start3A_10 = tpu.memref_slice %arg4[%add3A, %dma_start3A_9] : memref<32x10112xf32, #tpu.memory_space<hbm>> -> memref<1x10112xf32, #tpu.memory_space<hbm>>
      %dma_start3A_11 = tpu.memref_squeeze %dma_start3A_10 : memref<1x10112xf32, #tpu.memory_space<hbm>> -> memref<10112xf32, #tpu.memory_space<hbm>>
      tpu.enqueue_dma source(%arg6 : memref<10112xf32, #tpu.memory_space<vmem>>) target(%dma_start3A_11 : memref<10112xf32, #tpu.memory_space<hbm>>) target_semaphore(%run_scoped3A : memref<!tpu.dma_semaphore, #tpu.memory_space<semaphore_mem>>)
      %dma_wait3A = arith.constant 0 : i32
      %dma_wait3A_12 = tpu.memref_slice %arg4[%add3A, %dma_wait3A] : memref<32x10112xf32, #tpu.memory_space<hbm>> -> memref<1x10112xf32, #tpu.memory_space<hbm>>
      %dma_wait3A_13 = tpu.memref_squeeze %dma_wait3A_12 : memref<1x10112xf32, #tpu.memory_space<hbm>> -> memref<10112xf32, #tpu.memory_space<hbm>>
      %dma_wait3A_14 = arith.constant 0 : i32
      %dma_wait3A_15 = tpu.memref_slice %arg4[%add3A, %dma_wait3A_14] : memref<32x10112xf32, #tpu.memory_space<hbm>> -> memref<1x10112xf32, #tpu.memory_space<hbm>>
      %dma_wait3A_16 = tpu.memref_squeeze %dma_wait3A_15 : memref<1x10112xf32, #tpu.memory_space<hbm>> -> memref<10112xf32, #tpu.memory_space<hbm>>
      tpu.wait_dma2 semaphore(%run_scoped3A : memref<!tpu.dma_semaphore, #tpu.memory_space<semaphore_mem>>) src(%arg6 : memref<10112xf32, #tpu.memory_space<vmem>>) dst(%dma_wait3A_16 : memref<10112xf32, #tpu.memory_space<hbm>>)
      tpu.yield
    }) : () -> ()
    return
  }
}

#map = affine_map<(d0, d1) -> (0, 0)>
#map1 = affine_map<(d0, d1) -> (0, 0, 0)>
module attributes {stable_mosaic.version = 14 : i64} {
  func.func @k(%arg0: i32, %arg1: i32, %arg2: memref<10000x128xf32, #tpu.memory_space<hbm>>, %arg3: memref<32x112x128xi32, #tpu.memory_space<hbm>>, %arg4: memref<32x112x128xi32, #tpu.memory_space<hbm>>, %arg5: memref<10112x128xf32, #tpu.memory_space<hbm>>, %arg6: memref<2x10112x128xf32, #tpu.memory_space<hbm>>, %arg7: memref<10112x128xf32, #tpu.memory_space<vmem_shared>>, %arg8: memref<112x128xi32, #tpu.memory_space<vmem>>, %arg9: memref<112x128xi32, #tpu.memory_space<vmem>>, %arg10: memref<128x128xf32, #tpu.memory_space<vmem>>, %arg11: memref<!tpu.dma_semaphore, #tpu.memory_space<semaphore_mem>>) attributes {dimension_semantics = [#tpu.dimension_semantics<core_parallel>, #tpu.dimension_semantics<subcore_parallel>], iteration_bounds = array<i64: 2, 16>, scalar_prefetch = 0 : i64, scratch_operands = 5 : i64, tpu.core_type = #tpu.core_type<sc_vector_subcore>, window_params = [{transform_indices = #map}, {transform_indices = #map1}, {transform_indices = #map1}, {transform_indices = #map}, {transform_indices = #map1}]} {
    %mul3A = arith.constant 16 : i32
    %mul3A_0 = arith.muli %arg0, %mul3A : i32
    %add3A = arith.addi %mul3A_0, %arg1 : i32
    %mul3A_1 = arith.constant 632 : i32
    %mul3A_2 = arith.muli %arg1, %mul3A_1 : i32
    %mul3A_3 = arith.constant 632 : i32
    %mul3A_4 = arith.muli %arg1, %mul3A_3 : i32
    "tpu.region"() ({
      %run_scoped3A = tpu.sem_alloc : memref<!tpu.dma_semaphore, #tpu.memory_space<semaphore_mem>>
      %dma_start3A = arith.constant 0 : i32
      %dma_start3A_17 = tpu.memref_slice %arg7[%mul3A_4, %dma_start3A] : memref<10112x128xf32, #tpu.memory_space<vmem_shared>> -> memref<632x128xf32, #tpu.memory_space<vmem_shared>>
      %dma_start3A_18 = arith.constant 0 : i32
      %dma_start3A_19 = tpu.memref_slice %arg5[%mul3A_2, %dma_start3A_18] : memref<10112x128xf32, #tpu.memory_space<hbm>> -> memref<632x128xf32, #tpu.memory_space<hbm>>
      tpu.enqueue_dma source(%dma_start3A_19 : memref<632x128xf32, #tpu.memory_space<hbm>>) target(%dma_start3A_17 : memref<632x128xf32, #tpu.memory_space<vmem_shared>>) target_semaphore(%run_scoped3A : memref<!tpu.dma_semaphore, #tpu.memory_space<semaphore_mem>>)
      %dma_wait3A = arith.constant 0 : i32
      %dma_wait3A_20 = tpu.memref_slice %arg7[%mul3A_4, %dma_wait3A] : memref<10112x128xf32, #tpu.memory_space<vmem_shared>> -> memref<632x128xf32, #tpu.memory_space<vmem_shared>>
      %dma_wait3A_21 = arith.constant 0 : i32
      %dma_wait3A_22 = tpu.memref_slice %arg5[%mul3A_2, %dma_wait3A_21] : memref<10112x128xf32, #tpu.memory_space<hbm>> -> memref<632x128xf32, #tpu.memory_space<hbm>>
      tpu.wait_dma2 semaphore(%run_scoped3A : memref<!tpu.dma_semaphore, #tpu.memory_space<semaphore_mem>>) src(%dma_wait3A_22 : memref<632x128xf32, #tpu.memory_space<hbm>>) dst(%dma_wait3A_20 : memref<632x128xf32, #tpu.memory_space<vmem_shared>>)
      tpu.yield
    }) : () -> ()
    "tpu.region"() ({
      %run_scoped3A = tpu.sem_alloc : memref<!tpu.dma_semaphore, #tpu.memory_space<semaphore_mem>>
      %dma_start3A = arith.constant 0 : i32
      %dma_start3A_17 = arith.constant 0 : i32
      %dma_start3A_18 = tpu.memref_slice %arg3[%add3A, %dma_start3A, %dma_start3A_17] : memref<32x112x128xi32, #tpu.memory_space<hbm>> -> memref<1x112x128xi32, #tpu.memory_space<hbm>>
      %dma_start3A_19 = tpu.memref_squeeze %dma_start3A_18 : memref<1x112x128xi32, #tpu.memory_space<hbm>> -> memref<112x128xi32, #tpu.memory_space<hbm>>
      %dma_start3A_20 = arith.constant 0 : i32
      %dma_start3A_21 = arith.constant 0 : i32
      %dma_start3A_22 = tpu.memref_slice %arg3[%add3A, %dma_start3A_20, %dma_start3A_21] : memref<32x112x128xi32, #tpu.memory_space<hbm>> -> memref<1x112x128xi32, #tpu.memory_space<hbm>>
      %dma_start3A_23 = tpu.memref_squeeze %dma_start3A_22 : memref<1x112x128xi32, #tpu.memory_space<hbm>> -> memref<112x128xi32, #tpu.memory_space<hbm>>
      tpu.enqueue_dma source(%dma_start3A_23 : memref<112x128xi32, #tpu.memory_space<hbm>>) target(%arg8 : memref<112x128xi32, #tpu.memory_space<vmem>>) target_semaphore(%run_scoped3A : memref<!tpu.dma_semaphore, #tpu.memory_space<semaphore_mem>>)
      %dma_wait3A = arith.constant 0 : i32
      %dma_wait3A_24 = arith.constant 0 : i32
      %dma_wait3A_25 = tpu.memref_slice %arg3[%add3A, %dma_wait3A, %dma_wait3A_24] : memref<32x112x128xi32, #tpu.memory_space<hbm>> -> memref<1x112x128xi32, #tpu.memory_space<hbm>>
      %dma_wait3A_26 = tpu.memref_squeeze %dma_wait3A_25 : memref<1x112x128xi32, #tpu.memory_space<hbm>> -> memref<112x128xi32, #tpu.memory_space<hbm>>
      %dma_wait3A_27 = arith.constant 0 : i32
      %dma_wait3A_28 = arith.constant 0 : i32
      %dma_wait3A_29 = tpu.memref_slice %arg3[%add3A, %dma_wait3A_27, %dma_wait3A_28] : memref<32x112x128xi32, #tpu.memory_space<hbm>> -> memref<1x112x128xi32, #tpu.memory_space<hbm>>
      %dma_wait3A_30 = tpu.memref_squeeze %dma_wait3A_29 : memref<1x112x128xi32, #tpu.memory_space<hbm>> -> memref<112x128xi32, #tpu.memory_space<hbm>>
      tpu.wait_dma2 semaphore(%run_scoped3A : memref<!tpu.dma_semaphore, #tpu.memory_space<semaphore_mem>>) src(%dma_wait3A_30 : memref<112x128xi32, #tpu.memory_space<hbm>>) dst(%arg8 : memref<112x128xi32, #tpu.memory_space<vmem>>)
      tpu.yield
    }) : () -> ()
    "tpu.region"() ({
      %run_scoped3A = tpu.sem_alloc : memref<!tpu.dma_semaphore, #tpu.memory_space<semaphore_mem>>
      %dma_start3A = arith.constant 0 : i32
      %dma_start3A_17 = arith.constant 0 : i32
      %dma_start3A_18 = tpu.memref_slice %arg4[%add3A, %dma_start3A, %dma_start3A_17] : memref<32x112x128xi32, #tpu.memory_space<hbm>> -> memref<1x112x128xi32, #tpu.memory_space<hbm>>
      %dma_start3A_19 = tpu.memref_squeeze %dma_start3A_18 : memref<1x112x128xi32, #tpu.memory_space<hbm>> -> memref<112x128xi32, #tpu.memory_space<hbm>>
      %dma_start3A_20 = arith.constant 0 : i32
      %dma_start3A_21 = arith.constant 0 : i32
      %dma_start3A_22 = tpu.memref_slice %arg4[%add3A, %dma_start3A_20, %dma_start3A_21] : memref<32x112x128xi32, #tpu.memory_space<hbm>> -> memref<1x112x128xi32, #tpu.memory_space<hbm>>
      %dma_start3A_23 = tpu.memref_squeeze %dma_start3A_22 : memref<1x112x128xi32, #tpu.memory_space<hbm>> -> memref<112x128xi32, #tpu.memory_space<hbm>>
      tpu.enqueue_dma source(%dma_start3A_23 : memref<112x128xi32, #tpu.memory_space<hbm>>) target(%arg9 : memref<112x128xi32, #tpu.memory_space<vmem>>) target_semaphore(%run_scoped3A : memref<!tpu.dma_semaphore, #tpu.memory_space<semaphore_mem>>)
      %dma_wait3A = arith.constant 0 : i32
      %dma_wait3A_24 = arith.constant 0 : i32
      %dma_wait3A_25 = tpu.memref_slice %arg4[%add3A, %dma_wait3A, %dma_wait3A_24] : memref<32x112x128xi32, #tpu.memory_space<hbm>> -> memref<1x112x128xi32, #tpu.memory_space<hbm>>
      %dma_wait3A_26 = tpu.memref_squeeze %dma_wait3A_25 : memref<1x112x128xi32, #tpu.memory_space<hbm>> -> memref<112x128xi32, #tpu.memory_space<hbm>>
      %dma_wait3A_27 = arith.constant 0 : i32
      %dma_wait3A_28 = arith.constant 0 : i32
      %dma_wait3A_29 = tpu.memref_slice %arg4[%add3A, %dma_wait3A_27, %dma_wait3A_28] : memref<32x112x128xi32, #tpu.memory_space<hbm>> -> memref<1x112x128xi32, #tpu.memory_space<hbm>>
      %dma_wait3A_30 = tpu.memref_squeeze %dma_wait3A_29 : memref<1x112x128xi32, #tpu.memory_space<hbm>> -> memref<112x128xi32, #tpu.memory_space<hbm>>
      tpu.wait_dma2 semaphore(%run_scoped3A : memref<!tpu.dma_semaphore, #tpu.memory_space<semaphore_mem>>) src(%dma_wait3A_30 : memref<112x128xi32, #tpu.memory_space<hbm>>) dst(%arg9 : memref<112x128xi32, #tpu.memory_space<vmem>>)
      tpu.yield
    }) : () -> ()
    %barrier3A = arith.constant 0 : index
    tpu.barrier barrier_id(%barrier3A)
    %eq3A = arith.constant 0 : i32
    %eq3A_5 = arith.cmpi eq, %arg0, %eq3A : i32
    %jit3A = arith.constant 45 : i32
    %jit3A_6 = arith.constant 112 : i32
    %select_n3A = arith.select %eq3A_5, %jit3A, %jit3A_6 : i32
    %scan3A = arith.constant 0 : i32
    %scan3A_7 = arith.constant 0 : i32
    %scan3A_8 = arith.constant 112 : i32
    %scan3A_9 = arith.addi %scan3A_7, %scan3A_8 : i32
    %scan3A_10 = arith.constant 1 : i32
    scf.for %scan3A_17 = %scan3A_7 to %scan3A_9 step %scan3A_10  : i32 {
      %lt3A = arith.cmpi slt, %scan3A_17, %select_n3A : i32
      %convert_element_type3A = arith.extui %lt3A : i1 to i32
      %cond3A = arith.constant 0 : i32
      %cond3A_18 = arith.cmpi ne, %convert_element_type3A, %cond3A : i32
      scf.if %cond3A_18 {
        %dma_start3A = arith.constant 0 : i32
        %dma_start3A_19 = tpu.memref_slice %arg8[%scan3A_17, %dma_start3A] : memref<112x128xi32, #tpu.memory_space<vmem>> -> memref<1x128xi32, #tpu.memory_space<vmem>>
        %dma_start3A_20 = tpu.memref_squeeze %dma_start3A_19 : memref<1x128xi32, #tpu.memory_space<vmem>> -> memref<128xi32, #tpu.memory_space<vmem>>
        %dma_start3A_21 = arith.constant 0 : i32
        %dma_start3A_22 = arith.constant 0 : i32
        %dma_start3A_23 = tpu.memref_slice %arg2[%dma_start3A_21, %dma_start3A_22] : memref<10000x128xf32, #tpu.memory_space<hbm>> -> memref<10000x128xf32, #tpu.memory_space<hbm>>
        tpu.enqueue_indirect_dma source(%dma_start3A_23 : memref<10000x128xf32, #tpu.memory_space<hbm>>) target(%arg10 : memref<128x128xf32, #tpu.memory_space<vmem>>) offsets(%dma_start3A_20 : memref<128xi32, #tpu.memory_space<vmem>>) semaphore(%arg11 : memref<!tpu.dma_semaphore, #tpu.memory_space<semaphore_mem>>)
        %dma_wait3A = arith.constant 0 : i32
        %dma_wait3A_24 = tpu.memref_slice %arg8[%scan3A_17, %dma_wait3A] : memref<112x128xi32, #tpu.memory_space<vmem>> -> memref<1x128xi32, #tpu.memory_space<vmem>>
        %dma_wait3A_25 = tpu.memref_squeeze %dma_wait3A_24 : memref<1x128xi32, #tpu.memory_space<vmem>> -> memref<128xi32, #tpu.memory_space<vmem>>
        %dma_wait3A_26 = arith.constant 0 : i32
        %dma_wait3A_27 = arith.constant 0 : i32
        %dma_wait3A_28 = tpu.memref_slice %arg2[%dma_wait3A_26, %dma_wait3A_27] : memref<10000x128xf32, #tpu.memory_space<hbm>> -> memref<10000x128xf32, #tpu.memory_space<hbm>>
        tpu.wait_indirect_dma semaphore(%arg11 : memref<!tpu.dma_semaphore, #tpu.memory_space<semaphore_mem>>) src(%dma_wait3A_28 : memref<10000x128xf32, #tpu.memory_space<hbm>>) dst(%arg10 : memref<128x128xf32, #tpu.memory_space<vmem>>)
        "tpu.region"() ({
          %run_scoped3A = tpu.sem_alloc : memref<!tpu.dma_semaphore, #tpu.memory_space<semaphore_mem>>
          %dma_start3A_29 = arith.constant 0 : i32
          %dma_start3A_30 = tpu.memref_slice %arg9[%scan3A_17, %dma_start3A_29] : memref<112x128xi32, #tpu.memory_space<vmem>> -> memref<1x128xi32, #tpu.memory_space<vmem>>
          %dma_start3A_31 = tpu.memref_squeeze %dma_start3A_30 : memref<1x128xi32, #tpu.memory_space<vmem>> -> memref<128xi32, #tpu.memory_space<vmem>>
          %dma_start3A_32 = arith.constant 0 : i32
          %dma_start3A_33 = arith.constant 0 : i32
          %dma_start3A_34 = tpu.memref_slice %arg7[%dma_start3A_32, %dma_start3A_33] : memref<10112x128xf32, #tpu.memory_space<vmem_shared>> -> memref<10112x128xf32, #tpu.memory_space<vmem_shared>>
          tpu.enqueue_indirect_dma source(%arg10 : memref<128x128xf32, #tpu.memory_space<vmem>>) target(%dma_start3A_34 : memref<10112x128xf32, #tpu.memory_space<vmem_shared>>) offsets(%dma_start3A_31 : memref<128xi32, #tpu.memory_space<vmem>>) semaphore(%run_scoped3A : memref<!tpu.dma_semaphore, #tpu.memory_space<semaphore_mem>>) {add = true}
          %dma_wait3A_35 = arith.constant 0 : i32
          %dma_wait3A_36 = tpu.memref_slice %arg9[%scan3A_17, %dma_wait3A_35] : memref<112x128xi32, #tpu.memory_space<vmem>> -> memref<1x128xi32, #tpu.memory_space<vmem>>
          %dma_wait3A_37 = tpu.memref_squeeze %dma_wait3A_36 : memref<1x128xi32, #tpu.memory_space<vmem>> -> memref<128xi32, #tpu.memory_space<vmem>>
          %dma_wait3A_38 = arith.constant 0 : i32
          %dma_wait3A_39 = arith.constant 0 : i32
          %dma_wait3A_40 = tpu.memref_slice %arg7[%dma_wait3A_38, %dma_wait3A_39] : memref<10112x128xf32, #tpu.memory_space<vmem_shared>> -> memref<10112x128xf32, #tpu.memory_space<vmem_shared>>
          tpu.wait_indirect_dma semaphore(%run_scoped3A : memref<!tpu.dma_semaphore, #tpu.memory_space<semaphore_mem>>) src(%arg10 : memref<128x128xf32, #tpu.memory_space<vmem>>) dst(%dma_wait3A_40 : memref<10112x128xf32, #tpu.memory_space<vmem_shared>>)
          tpu.yield
        }) : () -> ()
      } else {
      }
    }
    %scan3A_11 = arith.constant 112 : i32
    %barrier3A_12 = arith.constant 0 : index
    tpu.barrier barrier_id(%barrier3A_12)
    %mul3A_13 = arith.constant 632 : i32
    %mul3A_14 = arith.muli %arg1, %mul3A_13 : i32
    %mul3A_15 = arith.constant 632 : i32
    %mul3A_16 = arith.muli %arg1, %mul3A_15 : i32
    "tpu.region"() ({
      %run_scoped3A = tpu.sem_alloc : memref<!tpu.dma_semaphore, #tpu.memory_space<semaphore_mem>>
      %dma_start3A = arith.constant 0 : i32
      %dma_start3A_17 = tpu.memref_slice %arg6[%arg0, %mul3A_16, %dma_start3A] : memref<2x10112x128xf32, #tpu.memory_space<hbm>> -> memref<1x632x128xf32, #tpu.memory_space<hbm>>
      %dma_start3A_18 = tpu.memref_squeeze %dma_start3A_17 : memref<1x632x128xf32, #tpu.memory_space<hbm>> -> memref<632x128xf32, #tpu.memory_space<hbm>>
      %dma_start3A_19 = arith.constant 0 : i32
      %dma_start3A_20 = tpu.memref_slice %arg7[%mul3A_14, %dma_start3A_19] : memref<10112x128xf32, #tpu.memory_space<vmem_shared>> -> memref<632x128xf32, #tpu.memory_space<vmem_shared>>
      tpu.enqueue_dma source(%dma_start3A_20 : memref<632x128xf32, #tpu.memory_space<vmem_shared>>) target(%dma_start3A_18 : memref<632x128xf32, #tpu.memory_space<hbm>>) target_semaphore(%run_scoped3A : memref<!tpu.dma_semaphore, #tpu.memory_space<semaphore_mem>>)
      %dma_wait3A = arith.constant 0 : i32
      %dma_wait3A_21 = tpu.memref_slice %arg6[%arg0, %mul3A_16, %dma_wait3A] : memref<2x10112x128xf32, #tpu.memory_space<hbm>> -> memref<1x632x128xf32, #tpu.memory_space<hbm>>
      %dma_wait3A_22 = tpu.memref_squeeze %dma_wait3A_21 : memref<1x632x128xf32, #tpu.memory_space<hbm>> -> memref<632x128xf32, #tpu.memory_space<hbm>>
      %dma_wait3A_23 = arith.constant 0 : i32
      %dma_wait3A_24 = tpu.memref_slice %arg7[%mul3A_14, %dma_wait3A_23] : memref<10112x128xf32, #tpu.memory_space<vmem_shared>> -> memref<632x128xf32, #tpu.memory_space<vmem_shared>>
      tpu.wait_dma2 semaphore(%run_scoped3A : memref<!tpu.dma_semaphore, #tpu.memory_space<semaphore_mem>>) src(%dma_wait3A_24 : memref<632x128xf32, #tpu.memory_space<vmem_shared>>) dst(%dma_wait3A_22 : memref<632x128xf32, #tpu.memory_space<hbm>>)
      tpu.yield
    }) : () -> ()
    return
  }
}

module attributes {stable_mosaic.version = 14 : i64} {
  func.func @_tc_dinv_body(%arg0: i32, %arg1: memref<32x10112xf32, #tpu.memory_space<vmem>>, %arg2: memref<10112x1xf32, #tpu.memory_space<vmem>>) attributes {dimension_semantics = [#tpu.dimension_semantics<arbitrary>], iteration_bounds = array<i64: 1>, scalar_prefetch = 0 : i64, scratch_operands = 0 : i64, tpu.core_type = #tpu.core_type<tc>, window_params = [{pipeline_mode = #tpu.pipeline_mode<synchronous>, transform_indices = @transform_0, window_bounds = array<i64: 32, 10112>}, {pipeline_mode = #tpu.pipeline_mode<synchronous>, transform_indices = @transform_1, window_bounds = array<i64: 10112, 1>}]} {
    %get3A = arith.constant 0 : index
    %get3A_0 = arith.constant 0 : index
    %get3A_1 = vector.load %arg1[%get3A, %get3A_0] : memref<32x10112xf32, #tpu.memory_space<vmem>>, vector<32x10112xf32>
    %reduce_sum3A = arith.constant dense<0.000000e+00> : vector<10112xf32>
    %reduce_sum3A_2 = vector.multi_reduction <add>, %get3A_1, %reduce_sum3A [0] : vector<32x10112xf32> to vector<10112xf32>
    %add3A = arith.constant 1.000000e+00 : f32
    %add3A_3 = vector.broadcast %add3A : f32 to vector<10112xf32>
    %add3A_4 = arith.addf %reduce_sum3A_2, %add3A_3 : vector<10112xf32>
    %rsqrt3A = math.rsqrt %add3A_4 : vector<10112xf32>
    %broadcast_in_dim3A = vector.shape_cast %rsqrt3A : vector<10112xf32> to vector<10112x1xf32>
    %swap3A = arith.constant 0 : index
    %swap3A_5 = arith.constant 0 : index
    %swap3A_6 = vector.load %arg2[%swap3A, %swap3A_5] : memref<10112x1xf32, #tpu.memory_space<vmem>>, vector<10112x1xf32>
    tpu.vector_store %arg2[%swap3A, %swap3A_5], %broadcast_in_dim3A {strides = array<i32>} : memref<10112x1xf32, #tpu.memory_space<vmem>>, vector<10112x1xf32>,
    return
  }
  func.func @transform_0(%arg0: i32) -> (i32, i32) {
    %c0_i32 = arith.constant 0 : i32
    %c0_i32_0 = arith.constant 0 : i32
    %c0_i32_1 = arith.constant 0 : i32
    return %c0_i32, %c0_i32_0 : i32, i32
  }
  func.func @transform_1(%arg0: i32) -> (i32, i32) {
    %c0_i32 = arith.constant 0 : i32
    %c0_i32_0 = arith.constant 0 : i32
    %c0_i32_1 = arith.constant 0 : i32
    return %c0_i32, %c0_i32_0 : i32, i32
  }
}

module attributes {stable_mosaic.version = 14 : i64} {
  func.func @_tc_y1_body(%arg0: i32, %arg1: memref<1000x128xf32, #tpu.memory_space<vmem>>, %arg2: memref<128x128xf32, #tpu.memory_space<vmem>>, %arg3: memref<1000x1xf32, #tpu.memory_space<vmem>>, %arg4: memref<1000x128xf32, #tpu.memory_space<vmem>>) attributes {dimension_semantics = [#tpu.dimension_semantics<arbitrary>], iteration_bounds = array<i64: 10>, scalar_prefetch = 0 : i64, scratch_operands = 0 : i64, tpu.core_type = #tpu.core_type<tc>, window_params = [{transform_indices = @transform_0, window_bounds = array<i64: 1000, 128>}, {pipeline_mode = #tpu.pipeline_mode<synchronous>, transform_indices = @transform_1, window_bounds = array<i64: 128, 128>}, {transform_indices = @transform_2, window_bounds = array<i64: 1000, 1>}, {transform_indices = @transform_3, window_bounds = array<i64: 1000, 128>}]} {
    %get3A = arith.constant 0 : index
    %get3A_0 = arith.constant 0 : index
    %get3A_1 = vector.load %arg1[%get3A, %get3A_0] : memref<1000x128xf32, #tpu.memory_space<vmem>>, vector<1000x128xf32>
    %get3A_2 = arith.constant 0 : index
    %get3A_3 = arith.constant 0 : index
    %get3A_4 = vector.load %arg2[%get3A_2, %get3A_3] : memref<128x128xf32, #tpu.memory_space<vmem>>, vector<128x128xf32>
    %dot_general3A = arith.constant dense<0.000000e+00> : vector<1000x128xf32>
    %dot_general3A_5 = tpu.matmul %get3A_1, %get3A_4, %dot_general3A {dimension_numbers = #tpu.dot_dimension_numbers<[1], [0], [0], [1], [0, 0, 1, 1], [], []>, transpose_lhs_hint = false} : vector<1000x128xf32>, vector<128x128xf32>, vector<1000x128xf32> -> vector<1000x128xf32>
    %get3A_6 = arith.constant 0 : index
    %get3A_7 = arith.constant 0 : index
    %get3A_8 = vector.load %arg3[%get3A_6, %get3A_7] : memref<1000x1xf32, #tpu.memory_space<vmem>>, vector<1000x1xf32>
    %mul3A = vector.broadcast %get3A_8 : vector<1000x1xf32> to vector<1000x128xf32>
    %mul3A_9 = arith.mulf %dot_general3A_5, %mul3A : vector<1000x128xf32>
    %swap3A = arith.constant 0 : index
    %swap3A_10 = arith.constant 0 : index
    %swap3A_11 = vector.load %arg4[%swap3A, %swap3A_10] : memref<1000x128xf32, #tpu.memory_space<vmem>>, vector<1000x128xf32>
    tpu.vector_store %arg4[%swap3A, %swap3A_10], %mul3A_9 {strides = array<i32>} : memref<1000x128xf32, #tpu.memory_space<vmem>>, vector<1000x128xf32>,
    return
  }
  func.func @transform_0(%arg0: i32) -> (i32, i32) {
    %c0_i32 = arith.constant 0 : i32
    %c0_i32_0 = arith.constant 0 : i32
    return %arg0, %c0_i32 : i32, i32
  }
  func.func @transform_1(%arg0: i32) -> (i32, i32) {
    %c0_i32 = arith.constant 0 : i32
    %c0_i32_0 = arith.constant 0 : i32
    %c0_i32_1 = arith.constant 0 : i32
    return %c0_i32, %c0_i32_0 : i32, i32
  }
  func.func @transform_2(%arg0: i32) -> (i32, i32) {
    %c0_i32 = arith.constant 0 : i32
    %c0_i32_0 = arith.constant 0 : i32
    return %arg0, %c0_i32 : i32, i32
  }
  func.func @transform_3(%arg0: i32) -> (i32, i32) {
    %c0_i32 = arith.constant 0 : i32
    %c0_i32_0 = arith.constant 0 : i32
    return %arg0, %c0_i32 : i32, i32
  }
}

module attributes {stable_mosaic.version = 14 : i64} {
  func.func @_tc_mid_body(%arg0: i32, %arg1: memref<2x1000x128xf32, #tpu.memory_space<vmem>>, %arg2: memref<1000x128xf32, #tpu.memory_space<vmem>>, %arg3: memref<1000x1xf32, #tpu.memory_space<vmem>>, %arg4: memref<1x128xf32, #tpu.memory_space<vmem>>, %arg5: memref<1000x128xf32, #tpu.memory_space<vmem>>) attributes {dimension_semantics = [#tpu.dimension_semantics<arbitrary>], iteration_bounds = array<i64: 10>, scalar_prefetch = 0 : i64, scratch_operands = 0 : i64, tpu.core_type = #tpu.core_type<tc>, window_params = [{transform_indices = @transform_0, window_bounds = array<i64: 2, 1000, 128>}, {transform_indices = @transform_1, window_bounds = array<i64: 1000, 128>}, {transform_indices = @transform_2, window_bounds = array<i64: 1000, 1>}, {pipeline_mode = #tpu.pipeline_mode<synchronous>, transform_indices = @transform_3, window_bounds = array<i64: 1, 128>}, {transform_indices = @transform_4, window_bounds = array<i64: 1000, 128>}]} {
    %get3A = arith.constant 0 : index
    %get3A_0 = arith.constant 0 : index
    %get3A_1 = vector.load %arg3[%get3A, %get3A_0] : memref<1000x1xf32, #tpu.memory_space<vmem>>, vector<1000x1xf32>
    %get3A_2 = arith.constant 0 : index
    %get3A_3 = arith.constant 0 : index
    %get3A_4 = arith.constant 0 : index
    %get3A_5 = vector.load %arg1[%get3A_2, %get3A_3, %get3A_4] : memref<2x1000x128xf32, #tpu.memory_space<vmem>>, vector<1x1000x128xf32>
    %get3A_6 = vector.shape_cast %get3A_5 : vector<1x1000x128xf32> to vector<1000x128xf32>
    %get3A_7 = arith.constant 1 : index
    %get3A_8 = arith.constant 0 : index
    %get3A_9 = arith.constant 0 : index
    %get3A_10 = vector.load %arg1[%get3A_7, %get3A_8, %get3A_9] : memref<2x1000x128xf32, #tpu.memory_space<vmem>>, vector<1x1000x128xf32>
    %get3A_11 = vector.shape_cast %get3A_10 : vector<1x1000x128xf32> to vector<1000x128xf32>
    %add3A = arith.addf %get3A_6, %get3A_11 : vector<1000x128xf32>
    %get3A_12 = arith.constant 0 : index
    %get3A_13 = arith.constant 0 : index
    %get3A_14 = vector.load %arg2[%get3A_12, %get3A_13] : memref<1000x128xf32, #tpu.memory_space<vmem>>, vector<1000x128xf32>
    %add3A_15 = arith.addf %add3A, %get3A_14 : vector<1000x128xf32>
    %mul3A = vector.broadcast %get3A_1 : vector<1000x1xf32> to vector<1000x128xf32>
    %mul3A_16 = arith.mulf %add3A_15, %mul3A : vector<1000x128xf32>
    %get3A_17 = arith.constant 0 : index
    %get3A_18 = arith.constant 0 : index
    %get3A_19 = vector.load %arg4[%get3A_17, %get3A_18] : memref<1x128xf32, #tpu.memory_space<vmem>>, vector<1x128xf32>
    %add3A_20 = vector.broadcast %get3A_19 : vector<1x128xf32> to vector<1000x128xf32>
    %add3A_21 = arith.addf %mul3A_16, %add3A_20 : vector<1000x128xf32>
    %max3A = arith.constant 0.000000e+00 : f32
    %max3A_22 = vector.broadcast %max3A : f32 to vector<1000x128xf32>
    %max3A_23 = arith.maximumf %add3A_21, %max3A_22 : vector<1000x128xf32>
    %mul3A_24 = vector.broadcast %get3A_1 : vector<1000x1xf32> to vector<1000x128xf32>
    %mul3A_25 = arith.mulf %max3A_23, %mul3A_24 : vector<1000x128xf32>
    %swap3A = arith.constant 0 : index
    %swap3A_26 = arith.constant 0 : index
    %swap3A_27 = vector.load %arg5[%swap3A, %swap3A_26] : memref<1000x128xf32, #tpu.memory_space<vmem>>, vector<1000x128xf32>
    tpu.vector_store %arg5[%swap3A, %swap3A_26], %mul3A_25 {strides = array<i32>} : memref<1000x128xf32, #tpu.memory_space<vmem>>, vector<1000x128xf32>,
    return
  }
  func.func @transform_0(%arg0: i32) -> (i32, i32, i32) {
    %c0_i32 = arith.constant 0 : i32
    %c0_i32_0 = arith.constant 0 : i32
    %c0_i32_1 = arith.constant 0 : i32
    return %c0_i32, %arg0, %c0_i32_0 : i32, i32, i32
  }
  func.func @transform_1(%arg0: i32) -> (i32, i32) {
    %c0_i32 = arith.constant 0 : i32
    %c0_i32_0 = arith.constant 0 : i32
    return %arg0, %c0_i32 : i32, i32
  }
  func.func @transform_2(%arg0: i32) -> (i32, i32) {
    %c0_i32 = arith.constant 0 : i32
    %c0_i32_0 = arith.constant 0 : i32
    return %arg0, %c0_i32 : i32, i32
  }
  func.func @transform_3(%arg0: i32) -> (i32, i32) {
    %c0_i32 = arith.constant 0 : i32
    %c0_i32_0 = arith.constant 0 : i32
    %c0_i32_1 = arith.constant 0 : i32
    return %c0_i32, %c0_i32_0 : i32, i32
  }
  func.func @transform_4(%arg0: i32) -> (i32, i32) {
    %c0_i32 = arith.constant 0 : i32
    %c0_i32_0 = arith.constant 0 : i32
    return %arg0, %c0_i32 : i32, i32
  }
}

module attributes {stable_mosaic.version = 14 : i64} {
  func.func @_tc_z2_body(%arg0: i32, %arg1: memref<2x1000x128xf32, #tpu.memory_space<vmem>>, %arg2: memref<1000x128xf32, #tpu.memory_space<vmem>>, %arg3: memref<1000x1xf32, #tpu.memory_space<vmem>>, %arg4: memref<1x64xf32, #tpu.memory_space<vmem>>, %arg5: memref<128x64xf32, #tpu.memory_space<vmem>>, %arg6: memref<1000x128xf32, #tpu.memory_space<vmem>>) attributes {dimension_semantics = [#tpu.dimension_semantics<arbitrary>], iteration_bounds = array<i64: 10>, scalar_prefetch = 0 : i64, scratch_operands = 0 : i64, tpu.core_type = #tpu.core_type<tc>, window_params = [{transform_indices = @transform_0, window_bounds = array<i64: 2, 1000, 128>}, {transform_indices = @transform_1, window_bounds = array<i64: 1000, 128>}, {transform_indices = @transform_2, window_bounds = array<i64: 1000, 1>}, {pipeline_mode = #tpu.pipeline_mode<synchronous>, transform_indices = @transform_3, window_bounds = array<i64: 1, 64>}, {pipeline_mode = #tpu.pipeline_mode<synchronous>, transform_indices = @transform_4, window_bounds = array<i64: 128, 64>}, {transform_indices = @transform_5, window_bounds = array<i64: 1000, 128>}]} {
    %get3A = arith.constant 0 : index
    %get3A_0 = arith.constant 0 : index
    %get3A_1 = arith.constant 0 : index
    %get3A_2 = vector.load %arg1[%get3A, %get3A_0, %get3A_1] : memref<2x1000x128xf32, #tpu.memory_space<vmem>>, vector<1x1000x128xf32>
    %get3A_3 = vector.shape_cast %get3A_2 : vector<1x1000x128xf32> to vector<1000x128xf32>
    %get3A_4 = arith.constant 1 : index
    %get3A_5 = arith.constant 0 : index
    %get3A_6 = arith.constant 0 : index
    %get3A_7 = vector.load %arg1[%get3A_4, %get3A_5, %get3A_6] : memref<2x1000x128xf32, #tpu.memory_space<vmem>>, vector<1x1000x128xf32>
    %get3A_8 = vector.shape_cast %get3A_7 : vector<1x1000x128xf32> to vector<1000x128xf32>
    %add3A = arith.addf %get3A_3, %get3A_8 : vector<1000x128xf32>
    %get3A_9 = arith.constant 0 : index
    %get3A_10 = arith.constant 0 : index
    %get3A_11 = vector.load %arg2[%get3A_9, %get3A_10] : memref<1000x128xf32, #tpu.memory_space<vmem>>, vector<1000x128xf32>
    %add3A_12 = arith.addf %add3A, %get3A_11 : vector<1000x128xf32>
    %get3A_13 = arith.constant 0 : index
    %get3A_14 = arith.constant 0 : index
    %get3A_15 = vector.load %arg3[%get3A_13, %get3A_14] : memref<1000x1xf32, #tpu.memory_space<vmem>>, vector<1000x1xf32>
    %mul3A = vector.broadcast %get3A_15 : vector<1000x1xf32> to vector<1000x128xf32>
    %mul3A_16 = arith.mulf %add3A_12, %mul3A : vector<1000x128xf32>
    %get3A_17 = arith.constant 0 : index
    %get3A_18 = arith.constant 0 : index
    %get3A_19 = vector.load %arg5[%get3A_17, %get3A_18] : memref<128x64xf32, #tpu.memory_space<vmem>>, vector<128x64xf32>
    %dot_general3A = arith.constant dense<0.000000e+00> : vector<1000x64xf32>
    %dot_general3A_20 = tpu.matmul %mul3A_16, %get3A_19, %dot_general3A {dimension_numbers = #tpu.dot_dimension_numbers<[1], [0], [0], [1], [0, 0, 1, 1], [], []>, transpose_lhs_hint = false} : vector<1000x128xf32>, vector<128x64xf32>, vector<1000x64xf32> -> vector<1000x64xf32>
    %get3A_21 = arith.constant 0 : index
    %get3A_22 = arith.constant 0 : index
    %get3A_23 = vector.load %arg4[%get3A_21, %get3A_22] : memref<1x64xf32, #tpu.memory_space<vmem>>, vector<1x64xf32>
    %add3A_24 = vector.broadcast %get3A_23 : vector<1x64xf32> to vector<1000x64xf32>
    %add3A_25 = arith.addf %dot_general3A_20, %add3A_24 : vector<1000x64xf32>
    %swap3A = arith.constant 0 : index
    %swap3A_26 = arith.constant 0 : index
    %swap3A_27 = vector.load %arg6[%swap3A, %swap3A_26] : memref<1000x128xf32, #tpu.memory_space<vmem>>, vector<1000x64xf32>
    tpu.vector_store %arg6[%swap3A, %swap3A_26], %add3A_25 {strides = array<i32>} : memref<1000x128xf32, #tpu.memory_space<vmem>>, vector<1000x64xf32>,
    %broadcast_in_dim3A = arith.constant 0.000000e+00 : f32
    %broadcast_in_dim3A_28 = vector.broadcast %broadcast_in_dim3A : f32 to vector<1000x64xf32>
    %swap3A_29 = arith.constant 0 : index
    %swap3A_30 = arith.constant 64 : index
    %swap3A_31 = vector.load %arg6[%swap3A_29, %swap3A_30] : memref<1000x128xf32, #tpu.memory_space<vmem>>, vector<1000x64xf32>
    tpu.vector_store %arg6[%swap3A_29, %swap3A_30], %broadcast_in_dim3A_28 {strides = array<i32>} : memref<1000x128xf32, #tpu.memory_space<vmem>>, vector<1000x64xf32>,
    return
  }
  func.func @transform_0(%arg0: i32) -> (i32, i32, i32) {
    %c0_i32 = arith.constant 0 : i32
    %c0_i32_0 = arith.constant 0 : i32
    %c0_i32_1 = arith.constant 0 : i32
    return %c0_i32, %arg0, %c0_i32_0 : i32, i32, i32
  }
  func.func @transform_1(%arg0: i32) -> (i32, i32) {
    %c0_i32 = arith.constant 0 : i32
    %c0_i32_0 = arith.constant 0 : i32
    return %arg0, %c0_i32 : i32, i32
  }
  func.func @transform_2(%arg0: i32) -> (i32, i32) {
    %c0_i32 = arith.constant 0 : i32
    %c0_i32_0 = arith.constant 0 : i32
    return %arg0, %c0_i32 : i32, i32
  }
  func.func @transform_3(%arg0: i32) -> (i32, i32) {
    %c0_i32 = arith.constant 0 : i32
    %c0_i32_0 = arith.constant 0 : i32
    %c0_i32_1 = arith.constant 0 : i32
    return %c0_i32, %c0_i32_0 : i32, i32
  }
  func.func @transform_4(%arg0: i32) -> (i32, i32) {
    %c0_i32 = arith.constant 0 : i32
    %c0_i32_0 = arith.constant 0 : i32
    %c0_i32_1 = arith.constant 0 : i32
    return %c0_i32, %c0_i32_0 : i32, i32
  }
  func.func @transform_5(%arg0: i32) -> (i32, i32) {
    %c0_i32 = arith.constant 0 : i32
    %c0_i32_0 = arith.constant 0 : i32
    return %arg0, %c0_i32 : i32, i32
  }
}

module attributes {stable_mosaic.version = 14 : i64} {
  func.func @_tc_dot_body(%arg0: i32, %arg1: memref<2048x128xf32, #tpu.memory_space<vmem>>, %arg2: memref<2048x128xf32, #tpu.memory_space<vmem>>, %arg3: memref<2048x1xf32, #tpu.memory_space<vmem>>) attributes {dimension_semantics = [#tpu.dimension_semantics<arbitrary>], iteration_bounds = array<i64: 10>, scalar_prefetch = 0 : i64, scratch_operands = 0 : i64, tpu.core_type = #tpu.core_type<tc>, window_params = [{transform_indices = @transform_0, window_bounds = array<i64: 2048, 128>}, {transform_indices = @transform_1, window_bounds = array<i64: 2048, 128>}, {transform_indices = @transform_2, window_bounds = array<i64: 2048, 1>}]} {
    %get3A = arith.constant 0 : index
    %get3A_0 = arith.constant 0 : index
    %get3A_1 = vector.load %arg1[%get3A, %get3A_0] : memref<2048x128xf32, #tpu.memory_space<vmem>>, vector<2048x128xf32>
    %get3A_2 = arith.constant 0 : index
    %get3A_3 = arith.constant 0 : index
    %get3A_4 = vector.load %arg2[%get3A_2, %get3A_3] : memref<2048x128xf32, #tpu.memory_space<vmem>>, vector<2048x128xf32>
    %mul3A = arith.mulf %get3A_1, %get3A_4 : vector<2048x128xf32>
    %reduce_sum3A = arith.constant dense<0.000000e+00> : vector<2048xf32>
    %reduce_sum3A_5 = vector.multi_reduction <add>, %mul3A, %reduce_sum3A [1] : vector<2048x128xf32> to vector<2048xf32>
    %broadcast_in_dim3A = vector.shape_cast %reduce_sum3A_5 : vector<2048xf32> to vector<2048x1xf32>
    %swap3A = arith.constant 0 : index
    %swap3A_6 = arith.constant 0 : index
    %swap3A_7 = vector.load %arg3[%swap3A, %swap3A_6] : memref<2048x1xf32, #tpu.memory_space<vmem>>, vector<2048x1xf32>
    tpu.vector_store %arg3[%swap3A, %swap3A_6], %broadcast_in_dim3A {strides = array<i32>} : memref<2048x1xf32, #tpu.memory_space<vmem>>, vector<2048x1xf32>,
    return
  }
  func.func @transform_0(%arg0: i32) -> (i32, i32) {
    %c0_i32 = arith.constant 0 : i32
    %c0_i32_0 = arith.constant 0 : i32
    return %arg0, %c0_i32 : i32, i32
  }
  func.func @transform_1(%arg0: i32) -> (i32, i32) {
    %c0_i32 = arith.constant 0 : i32
    %c0_i32_0 = arith.constant 0 : i32
    return %arg0, %c0_i32 : i32, i32
  }
  func.func @transform_2(%arg0: i32) -> (i32, i32) {
    %c0_i32 = arith.constant 0 : i32
    %c0_i32_0 = arith.constant 0 : i32
    return %arg0, %c0_i32 : i32, i32
  }
}

</mosaic_0001>

<sc_bundles>
// kernel: kernel.11.cloned.1.call-start
scs
__scs_entry_jumppad:
0x0: {  	(pc) =	sbr.rel $0x88, $3  }
0x1: {  	(tag) =	ssettag $0x0;
	lr =	simm.s32 $0x1  }
0x2: {  	[smem:$0x3F9A] =	sst lr;
	_ =	strace $0xD0000000  }
0x3: {  	_ = 	snop  }
0x4: {  	_ = 	snop  }
0x5: {  	_ = 	snop  }
0x6: {  	_ = 	snop  }
0x7: {  	_ = 	snop  }
__scs_overlays_trampoline_lowered:
0x8: {  	[smem:$0x3FA9] =	sst s0  }
0x9: {  	[smem:$0x3FAA] =	sst s1  }
0xa: {  	[smem:$0x3FAB] =	sst s2  }
0xb: {  	[smem:$0x3FAC] =	sst s3  }
0xc: {  	[smem:$0x3FAD] =	sst s4  }
0xd: {  	[smem:$0x3FAE] =	sst s5  }
0xe: {  	[smem:$0x3FAF] =	sst s6  }
0xf: {  	[smem:$0x3FB0] =	sst s7  }
0x10: {  	[smem:$0x3FB1] =	sst s8  }
0x11: {  	[smem:$0x3FB2] =	sst s9;
	s0 =	simm.s32 @!p0 $0x0  }
0x12: {  	s1 =	sld [smem:$0x3F98];
	s0 =	simm.s32 @p0 $0x1  }
0x13: {  	[smem:$0x3FB3] =	sst s0;
	s0 =	simm.s32 @!p1 $0x0  }
0x14: {  	s2 =	sld [smem:$0x3F97];
	s0 =	simm.s32 @p1 $0x1  }
0x15: {  	[smem:$0x3FB4] =	sst s0;
	s0 =	simm.s32 @!p2 $0x0  }
0x16: {  	s3 =	sld [smem:$0x3FDB];
	s0 =	simm.s32 @p2 $0x1  }
0x17: {  	s4 =	simm.s32 $0x1BF5;
	[smem:$0x3FB6] =	sst s0  }
0x18: {  	s0 =	sld [smem:$0x3F99];
	_ =	swait.ge [sflag:s4], $0x0  }
0x19: {  	s7 =	sld [smem:$0x3F9A]  }
0x1a: {  	s8 =	sadd.s32 $0xFFFFE003, lr  }
0x1b: {  	s9 =	sadd.s32 $0xFFFFFEF7, lr;
	s5 =	simm.s32 $0xFFFFFFFF;
	p2 =	slt.u32 s8, $0xFFFFF086  }
0x1c: {  	p1 =	slt.u32 s9, $0xF7A;
	s5 =	simm.s32 @!p2 $0x0  }
0x1d: {  	s5 =	simm.s32 @p1 $0x1;
	p0 =	seq.s32 s7, s2  }
0x1e: {  	s7 =	smul.u32 @!p0 $0xF7A, s2;
	p2 =	seq.s32 @!p0 s5, $0x0  }
0x1f: {  	s9 =	smul.u32 $0xF7A, s1;
	s8 =	simm.s32 @!p0 $0x1BF5;
	p2 =	por !p2, p0  }
0x20: {  	[sflag:s8] =	ssyncset.s32 @!p0 $0xFFFFF086;
	s6 =	sadd.s32 @!p0 s3, s7;
	s7 =	simm.s32 @!p0 $0x108  }
0x21: {  	s3 =	sadd.s32 s3, s9;
	s6 =	sadd.s32 @!p0 $0x88, s6;
	s7 =	simm.s32 @p2 $0x1082  }
0x22: {  	[simem:s7], [sflag:s8] =	dma.local @!p0 [hbm:s6], $0xF7A  }
0x23: {  	s9 =	sor.u32 $0xD0000000, s2;
	s6 =	simm.s32 $0x108;
	_ =	swait.ge @!p0 [sflag:s8], $0x0  }
0x24: {  	s3 =	sadd.s32 $0x88, s3;
	s6 =	simm.s32 @!p1 $0x1082;
	[sflag:s4] =	ssyncset.s32 $0xFFFFF086  }
0x25: {  	[simem:s6], [sflag:s4] =	dma.local [hbm:s3], $0xF7A  }
0x26: {  	[smem:$0x3F9A] =	sst s1;
	(tag) =	ssettag s2;
	_ =	strace s9  }
0x27: {  	s1 =	sld [smem:$0x3FAA]  }
0x28: {  	s2 =	sld [smem:$0x3FAB]  }
0x29: {  	s4 =	sld [smem:$0x3FAD]  }
0x2a: {  	p0 =	seq.s32 s5, $0x0;
	s5 =	sld [smem:$0x3FAE]  }
0x2b: {  	s6 =	sld [smem:$0x3FAF]  }
0x2c: {  	s7 =	sld [smem:$0x3FB0]  }
0x2d: {  	s3 =	simm.s32 $0x108;
	s8 =	sld [smem:$0x3FB1]  }
0x2e: {  	s3 =	simm.s32 @!p0 $0x1082;
	s9 =	sld [smem:$0x3FB2]  }
0x2f: {  	lr =	sadd.s32 s0, s3;
	s0 =	sld [smem:$0x3FA9]  }
0x30: {  	s3 =	sld [smem:$0x3FAC]  }
0x31: {  	[smem:$0x3FB5] =	sst s10  }
0x32: {  	s10 =	sld [smem:$0x3FB3];
	_ =	sdelay $0x3  }
0x33: {  	p0 =	seq.s32 s10, $0x1;
	s10 =	sld [smem:$0x3FB5];
	_ =	sdelay $0x3  }
0x34: {  	[smem:$0x3FB5] =	sst s10  }
0x35: {  	s10 =	sld [smem:$0x3FB4];
	_ =	sdelay $0x3  }
0x36: {  	p1 =	seq.s32 s10, $0x1;
	s10 =	sld [smem:$0x3FB5];
	_ =	sdelay $0x3  }
0x37: {  	[smem:$0x3FB5] =	sst s10  }
0x38: {  	s10 =	sld [smem:$0x3FB6]  }
0x39: {  	_ = 	snop;
	(pc) =	sbr.ind lr, $3  }
0x3a: {  	_ = 	snop  }
0x3b: {  	_ = 	snop  }
0x3c: {  	p2 =	seq.s32 s10, $0x1;
	s10 =	sld [smem:$0x3FB5]  }
0x3d: {  	_ =	shalt  }
0x3e: {  	_ =	shalt  }
0x3f: {  	_ =	shalt  }
0x40: {  	_ =	shalt  }
0x41: {  	_ =	shalt  }
0x42: {  	_ =	shalt  }
0x43: {  	_ =	shalt  }
0x44: {  	_ =	shalt  }
0x45: {  	_ =	shalt  }
0x46: {  	_ =	shalt  }
0x47: {  	_ =	shalt  }
0x48: {  	_ =	shalt  }
0x49: {  	_ =	shalt  }
0x4a: {  	_ =	shalt  }
0x4b: {  	_ =	shalt  }
0x4c: {  	_ =	shalt  }
0x4d: {  	_ =	shalt  }
0x4e: {  	_ =	shalt  }
0x4f: {  	_ =	shalt  }
0x50: {  	_ =	shalt  }
0x51: {  	_ =	shalt  }
0x52: {  	_ =	shalt  }
0x53: {  	_ =	shalt  }
0x54: {  	_ =	shalt  }
0x55: {  	_ =	shalt  }
0x56: {  	_ =	shalt  }
0x57: {  	_ =	shalt  }
0x58: {  	_ =	shalt  }
0x59: {  	_ =	shalt  }
0x5a: {  	_ =	shalt  }
0x5b: {  	_ =	shalt  }
0x5c: {  	_ =	shalt  }
0x5d: {  	_ =	shalt  }
0x5e: {  	_ =	shalt  }
0x5f: {  	_ =	shalt  }
0x60: {  	_ =	shalt  }
0x61: {  	_ =	shalt  }
0x62: {  	_ =	shalt  }
0x63: {  	_ =	shalt  }
0x64: {  	_ =	shalt  }
0x65: {  	_ =	shalt  }
0x66: {  	_ =	shalt  }
0x67: {  	_ =	shalt  }
0x68: {  	_ =	shalt  }
0x69: {  	_ =	shalt  }
0x6a: {  	_ =	shalt  }
0x6b: {  	_ =	shalt  }
0x6c: {  	_ =	shalt  }
0x6d: {  	_ =	shalt  }
0x6e: {  	_ =	shalt  }
0x6f: {  	_ =	shalt  }
0x70: {  	_ =	shalt  }
0x71: {  	_ =	shalt  }
0x72: {  	_ =	shalt  }
0x73: {  	_ =	shalt  }
0x74: {  	_ =	shalt  }
0x75: {  	_ =	shalt  }
0x76: {  	_ =	shalt  }
0x77: {  	_ =	shalt  }
0x78: {  	_ =	shalt  }
0x79: {  	_ =	shalt  }
0x7a: {  	_ =	shalt  }
0x7b: {  	_ =	shalt  }
0x7c: {  	_ =	shalt  }
0x7d: {  	_ =	shalt  }
0x7e: {  	_ =	shalt  }
0x7f: {  	_ =	shalt  }
0x80: {  	_ =	shalt  }
0x81: {  	_ =	shalt  }
0x82: {  	_ =	shalt  }
0x83: {  	_ =	shalt  }
0x84: {  	_ =	shalt  }
0x85: {  	_ =	shalt  }
0x86: {  	_ =	shalt  }
0x87: {  	_ =	shalt  }
.Lfunc_end0:
.L_simem_size_0:
called_computation_lowered:
.L_overlay_start_0:
0x88: {  	s2 =	sld [smem:$0x3FD9]  }
0x89: {  	s3 =	sld [smem:$0x3FFE];
	_ =	sdelay $0x1  }
0x8a: {  	s1 =	srdreg.scid  }
0x8b: {  	s0 =	sand.u32 $0x1, s1  }
0x8c: {  	s17 =	sshll.u32 s0, $0xA;
	s2 =	sadd.s32 s3, s2  }
0x8d: {  	s2 =	sadd.s32 s2, s17  }
0x8e: {  	[smem:$0x3FC1] =	sst s2  }
0x8f: {  	_ = 	snop  }
0x90: {  	s2 =	sld [smem:$0x3FD0];
	(tm) =	ssettm $0x1  }
0x91: {  	s18 =	sld [smem:$0x3FFB];
	_ =	sdelay $0x3  }
0x92: {  	_ =	strace s18  }
0x93: {  	s3 =	sld [smem:$0x3FFC];
	_ =	sdelay $0x3  }
0x94: {  	_ =	strace s3  }
0x95: {  	s3 =	sld [smem:$0x3FFD];
	_ =	sdelay $0x3  }
0x96: {  	_ =	strace s3  }
0x97: {  	_ =	strace $0x8FFFFFFF  }
0x98: {  	s19 =	sld [smem:$0x3FDB];
	_ =	sdelay $0x1  }
0x99: {  	s4 =	simm.s32 $_scs_section_size  }
0x9a: {  	s5 =	simm.s32 $_size__tile_overlayer_lowered;
	s6 =	simm.s32 $_tile_overlayer_lowered  }
0x9b: {  	s22 =	simm.s32 $0x1BFF;
	s21 =	sshll.u32 s6, $0x1;
	s3 =	sadd.s32 s4, s19  }
0x9c: {  	s7 =	simm.s32 $0x0;
	s20 =	sshll.u32 s5, $0x1;
	s5 =	sadd.s32 s21, s3  }
0x9d: {  	[timem:s7], [sflag:s22] =	dma.local [hbm:s5], s20  }
0x9e: {  	_ =	swait.ge [sflag:s22], s20  }
0x9f: {  	s4 =	ssub.s32 $0x0, s20;
	[sflag:s22] =	ssyncset.done $0x0  }
0xa0: {  	[sflag:s22] =	ssyncadd.s32 s4;
	_ =	sdelay $0x1  }
0xa1: {  	s23 =	simm.s32 $0x1B8B  }
0xa2: {  	_ =	swait.ge [sflag:s23], $0x1  }
0xa3: {  	[sflag:s23] =	ssyncset.done $0x0  }
0xa4: {  	s25 =	simm.s32 $0x1B8E;
	s24 =	sld [smem:$0x3FFE];
	[sflag:s23] =	ssyncadd.s32 $0xFFFFFFFF  }
0xa5: {  	s26 =	simm.s32 $execute0_lowered;
	[smem:$0x3FD2] =	sst s25  }
0xa6: {  	s5 =	sshll.u32 s26, $0x1;
	_ =	strace $0x80000046;
	[dreg:$0x1] =	wrdreg $0xFFFFFFFF  }
0xa7: {  	s28 =	simm.s32 $_size_execute0_lowered;
	s3 =	sadd.s32 s3, s5;
	[dreg:$0x0] =	wrdreg $0x0  }
0xa8: {  	s5 =	sshll.u32 s28, $0x1;
	[dreg:$0x2] =	wrdreg s3  }
0xa9: {  	[dreg:$0x3] =	wrdreg s5  }
0xaa: {  	[dreg:$0x4] =	wrdreg $0xC0  }
0xab: {  	_ =	task [dreg:s7], $0x5FFFF  }
0xac: {  	[dreg:$0x1] =	wrdreg $0xFFFFFFFF  }
0xad: {  	[dreg:$0x0] =	wrdreg $0x60  }
0xae: {  	[dreg:$0x2] =	wrdreg s24  }
0xaf: {  	[dreg:$0x3] =	wrdreg s2  }
0xb0: {  	[dreg:$0x4] =	wrdreg $0x9  }
0xb1: {  	_ =	task.clear_ibuf [dreg:s7], $0x5FFFF;
	_ =	strace $0x90000046  }
0xb2: {  	s29 =	simm.s32 $0x9;
	_ =	strace $0x80000048  }
0xb3: {  	_ =	swait.ge [sflag:s29], $0x1  }
0xb4: {  	[sflag:s29] =	ssyncadd.s32 $0xFFFFFFFF  }
0xb5: {  	_ =	strace $0x90000048  }
0xb6: {  	_ =	sfence  }
0xb7: {  	s30 =	sld [smem:$0x0];
	_ =	sdelay $0x2  }
0xb8: {  	s31 =	sshll.u32 s1, $0xD;
	s1 =	sshrl.u32 s1, $0x2  }
0xb9: {  	s3 =	sand.u32 $0x4000, s31;
	s1 =	sadd.s32 s1, s30  }
0xba: {  	s0 =	sor.u32 s3, s0;
	s1 =	sshll.u32 s1, $0x11  }
0xbb: {  	s0 =	sor.u32 s1, s0  }
0xbc: {  	s0 =	sadd.s32 $0x8F2B, s0  }
0xbd: {  	[sflag:s0] =	ssyncadd.remote.s32 $0x1  }
0xbe: {  	_ =	sfence.sel $0xFFFF  }
0xbf: {  	[dreg:$0x0] =	wrdreg $0xFFFFFFFF;
	(pc) =	sbr.abs _section_cstart, $3  }
0xc0: {  	[dreg:$0x1] =	wrdreg $0xFFFFFFFF  }
0xc1: {  	_ =	task.clear_ibuf [dreg:s7], $0x2FFFF;
	_ =	strace $0x9FFFFFFF  }
0xc2: {  	(tm) =	ssettm $0x7FFFFFFF  }
0xc3: {  	_ =	shalt  }
tec
execute0_lowered:
.L_overlay_start_1:
0x0: {  	(tag) =	ssettag $0x1  }
0x1: {  	s0 =	srdreg.scid  }
0x2: {  	s5 =	rddreg [dreg:$0x0];
	s4 =	sand.u32 $0x1, s0  }
0x3: {  	s2 =	rddreg [dreg:$0x1];
	s0 =	stileid.u32;
	s1 =	sshll.u32 s4, $0x4  }
0x4: {  	s3 =	simm.s32 $0x0;
	s9 =	simm.s32 $0x80;
	s1 =	sor.u32 s0, s1  }
0x5: {  	s10 =	simm.s32 $0x400;
	s11 =	simm.s32 $0x0;
	s6 =	sshrl.u32 s1, $0x3  }
0x6: {  	[smem:$0x7FF] =	sst s3;
	s8 =	sshll.u32 s0, $0x7;
	s7 =	smul.u32 $0x1C000, s6  }
0x7: {  	s4 =	ssub.s32 $0x2, s4;
	s8 =	sand.u32 $0x380, s8;
	s6 =	smul.u32 $0x13C00, s6  }
0x8: {  	s31 =	sshrl.u32 s4, $0x1;
	s1 =	rddreg [dreg:$0x2];
	s7 =	sor.u32 s8, s7  }
0x9: {  	_ =	strace $0x80000047;
	s6 =	sor.u32 s8, s6;
	s7 =	sshrl.u32 s7, $0x3  }
0xa: {  	s8 =	simm.s32 $0x1;
	s6 =	sshrl.u32 s6, $0x3;
	s7 =	sadd.s32 s7, s5  }
0xb: {  	s5 =	sadd.s32 s6, s5;
	s6 =	ssub.s32 s4, s31;
	s4 =	sadd.s32 $0xE00, s7  }
0xc: {  	v0 =	vimm.f32 $1.000000000e+00;
	s5 =	sadd.s32 $0xEE00, s5;
	s6 =	smax.u32 s6, $0x1;
	s7 =	simm.s32 $0x3800  }
.LBB2_1:
0xd: {  	[tilespmem:s7], [sflag:$0x1] =	stream.linear.gather [hbm4b:s2+s3], $0x2780, $0x38;
	[tilespmem:$0x5F80] =	vst v63  }
0xe: {  	_ =	swait.ge [sflag:s8], $0x2780  }
0xf: {  	[sflag:s8] =	ssyncset.done $0x0  }
0x10: {  	[sflag:s8] =	ssyncadd.s32 $0xFFFFD880  }
0x11: {  	[tilespmem:s3], [sflag:$0x1] =	stream.strided.gather [hbm4b:s4+s9], $0x3800, s10, s9, $0x38;
	[tilespmem:$0x5F80] =	vst v63  }
0x12: {  	_ =	swait.ge [sflag:s8], $0x3800  }
0x13: {  	[sflag:s8] =	ssyncset.done $0x0  }
0x14: {  	s13 =	simm.s32 $0x0;
	s12 =	simm.s32 $0x40;
	[sflag:s8] =	ssyncadd.s32 $0xFFFFC800  }
.LBB2_2:
0x15: {  	p0 =	sne.s32 s12, $0xDFC0;
	v1 =	vld [tilespmem:s13+$0x0];
	_ =	sdelay $0x3  }
.Ltmp0:
0x16: {  	(pc) =	sbr.rel @p0 .LBB2_2-.Ltmp0, $2  }
0x17: {  	_ =	sdelay $0x2  }
0x18: {  	s13 =	sshra.s32 s12, $0x2;
	s12 =	sadd.s32 $0x40, s12;
	[tilespmem:v1+s7+$0x0] =	vst.idx.add.f32.msk $0xffff, v0  }
0x19: {  	v1 =	vld [tilespmem:s13+$0x0];
	_ =	sdelay $0x5  }
0x1a: {  	s11 =	sadd.s32 $0x1, s11  }
0x1b: {  	p0 =	sne.s32 s11, s6  }
.Ltmp1:
0x1c: {  	[tilespmem:v1+s7+$0x0] =	vst.idx.add.f32.msk $0xffff, v0;
	(pc) =	sbr.rel @p0 .LBB2_1-.Ltmp1, $4  }
0x1d: {  	[hbm4b:s5+s9] =	stream.strided.scatter [tilespmem:s7], [sflag:$0x1], $0x2780, s10, s9, $0x38;
	[tilespmem:$0x5F80] =	vst v63  }
0x1e: {  	_ =	swait.ge [sflag:s8], $0x2780  }
0x1f: {  	[sflag:s8] =	ssyncset.done $0x0  }
0x20: {  	[sflag:s8] =	ssyncadd.s32 $0xFFFFD880  }
0x21: {  	_ =	sfence.sel $0x180000  }
0x22: {  	[bflag:$0x0] =	sbarrier.arrive $0xFFFF  }
0x23: {  	p0 =	sne.s32 s0, $0x0;
	_ =	strace $0x90000047  }
0x24: {  	s0 =	sadd.s32 @!p0 $0x100000, s1;
	[bflag:$0x2] =	sbarrier.arrive $0xFFFF  }
0x25: {  	[sflag:s0] =	ssyncadd.tile.s32 @!p0 $0x1;
	_ =	shalt  }
.Lfunc_end2:
_tile_overlayer_lowered:
.L_overlay_start_2:
0x26: {  	(tag) =	ssettag $0x2  }
0x27: {  	s0 =	rddreg [dreg:$0x0];
	s2 =	stileid.u32  }
0x28: {  	s1 =	rddreg [dreg:$0x1];
	p0 =	sne.s32 s2, $0x0  }
0x29: {  	s3 =	rddreg [dreg:$0x2];
	[bflag:$0x3] =	sbarrier.arrive $0xFFFF;
	s2 =	simm.s32 @!p0 $0x1C01  }
0x2a: {  	[timem:s3], [sflag:s2] =	dma.local @!p0 [hbm:s0], s1  }
0x2b: {  	s0 =	simm.s32 @!p0 $0x1  }
0x2c: {  	_ =	swait.ge @!p0 [sflag:s0], s1  }
0x2d: {  	s1 =	ssub.s32 @!p0 $0x0, s1;
	[sflag:s0] =	ssyncset.done @!p0 $0x0  }
0x2e: {  	[sflag:s0] =	ssyncadd.s32 @!p0 s1  }
0x2f: {  	[bflag:$0x3] =	sbarrier.arrive $0xFFFF  }
0x30: {  	_ =	shalt  }

// kernel: kernel.14.cloned.1.call-start
scs
__scs_entry_jumppad:
0x0: {  	(pc) =	sbr.rel $0x88, $3  }
0x1: {  	(tag) =	ssettag $0x0;
	lr =	simm.s32 $0x1  }
0x2: {  	[smem:$0x3F9A] =	sst lr;
	_ =	strace $0xD0000000  }
0x3: {  	_ = 	snop  }
0x4: {  	_ = 	snop  }
0x5: {  	_ = 	snop  }
0x6: {  	_ = 	snop  }
0x7: {  	_ = 	snop  }
__scs_overlays_trampoline_lowered:
0x8: {  	[smem:$0x3FA9] =	sst s0  }
0x9: {  	[smem:$0x3FAA] =	sst s1  }
0xa: {  	[smem:$0x3FAB] =	sst s2  }
0xb: {  	[smem:$0x3FAC] =	sst s3  }
0xc: {  	[smem:$0x3FAD] =	sst s4  }
0xd: {  	[smem:$0x3FAE] =	sst s5  }
0xe: {  	[smem:$0x3FAF] =	sst s6  }
0xf: {  	[smem:$0x3FB0] =	sst s7  }
0x10: {  	[smem:$0x3FB1] =	sst s8  }
0x11: {  	[smem:$0x3FB2] =	sst s9;
	s0 =	simm.s32 @!p0 $0x0  }
0x12: {  	s1 =	sld [smem:$0x3F98];
	s0 =	simm.s32 @p0 $0x1  }
0x13: {  	[smem:$0x3FB3] =	sst s0;
	s0 =	simm.s32 @!p1 $0x0  }
0x14: {  	s2 =	sld [smem:$0x3F97];
	s0 =	simm.s32 @p1 $0x1  }
0x15: {  	[smem:$0x3FB4] =	sst s0;
	s0 =	simm.s32 @!p2 $0x0  }
0x16: {  	s3 =	sld [smem:$0x3FDB];
	s0 =	simm.s32 @p2 $0x1  }
0x17: {  	s4 =	simm.s32 $0x1BF5;
	[smem:$0x3FB6] =	sst s0  }
0x18: {  	s0 =	sld [smem:$0x3F99];
	_ =	swait.ge [sflag:s4], $0x0  }
0x19: {  	s7 =	sld [smem:$0x3F9A]  }
0x1a: {  	s8 =	sadd.s32 $0xFFFFE003, lr  }
0x1b: {  	s9 =	sadd.s32 $0xFFFFFEF7, lr;
	s5 =	simm.s32 $0xFFFFFFFF;
	p2 =	slt.u32 s8, $0xFFFFF086  }
0x1c: {  	p1 =	slt.u32 s9, $0xF7A;
	s5 =	simm.s32 @!p2 $0x0  }
0x1d: {  	s5 =	simm.s32 @p1 $0x1;
	p0 =	seq.s32 s7, s2  }
0x1e: {  	s7 =	smul.u32 @!p0 $0xF7A, s2;
	p2 =	seq.s32 @!p0 s5, $0x0  }
0x1f: {  	s9 =	smul.u32 $0xF7A, s1;
	s8 =	simm.s32 @!p0 $0x1BF5;
	p2 =	por !p2, p0  }
0x20: {  	[sflag:s8] =	ssyncset.s32 @!p0 $0xFFFFF086;
	s6 =	sadd.s32 @!p0 s3, s7;
	s7 =	simm.s32 @!p0 $0x108  }
0x21: {  	s3 =	sadd.s32 s3, s9;
	s6 =	sadd.s32 @!p0 $0x88, s6;
	s7 =	simm.s32 @p2 $0x1082  }
0x22: {  	[simem:s7], [sflag:s8] =	dma.local @!p0 [hbm:s6], $0xF7A  }
0x23: {  	s9 =	sor.u32 $0xD0000000, s2;
	s6 =	simm.s32 $0x108;
	_ =	swait.ge @!p0 [sflag:s8], $0x0  }
0x24: {  	s3 =	sadd.s32 $0x88, s3;
	s6 =	simm.s32 @!p1 $0x1082;
	[sflag:s4] =	ssyncset.s32 $0xFFFFF086  }
0x25: {  	[simem:s6], [sflag:s4] =	dma.local [hbm:s3], $0xF7A  }
0x26: {  	[smem:$0x3F9A] =	sst s1;
	(tag) =	ssettag s2;
	_ =	strace s9  }
0x27: {  	s1 =	sld [smem:$0x3FAA]  }
0x28: {  	s2 =	sld [smem:$0x3FAB]  }
0x29: {  	s4 =	sld [smem:$0x3FAD]  }
0x2a: {  	p0 =	seq.s32 s5, $0x0;
	s5 =	sld [smem:$0x3FAE]  }
0x2b: {  	s6 =	sld [smem:$0x3FAF]  }
0x2c: {  	s7 =	sld [smem:$0x3FB0]  }
0x2d: {  	s3 =	simm.s32 $0x108;
	s8 =	sld [smem:$0x3FB1]  }
0x2e: {  	s3 =	simm.s32 @!p0 $0x1082;
	s9 =	sld [smem:$0x3FB2]  }
0x2f: {  	lr =	sadd.s32 s0, s3;
	s0 =	sld [smem:$0x3FA9]  }
0x30: {  	s3 =	sld [smem:$0x3FAC]  }
0x31: {  	[smem:$0x3FB5] =	sst s10  }
0x32: {  	s10 =	sld [smem:$0x3FB3];
	_ =	sdelay $0x3  }
0x33: {  	p0 =	seq.s32 s10, $0x1;
	s10 =	sld [smem:$0x3FB5];
	_ =	sdelay $0x3  }
0x34: {  	[smem:$0x3FB5] =	sst s10  }
0x35: {  	s10 =	sld [smem:$0x3FB4];
	_ =	sdelay $0x3  }
0x36: {  	p1 =	seq.s32 s10, $0x1;
	s10 =	sld [smem:$0x3FB5];
	_ =	sdelay $0x3  }
0x37: {  	[smem:$0x3FB5] =	sst s10  }
0x38: {  	s10 =	sld [smem:$0x3FB6]  }
0x39: {  	_ = 	snop;
	(pc) =	sbr.ind lr, $3  }
0x3a: {  	_ = 	snop  }
0x3b: {  	_ = 	snop  }
0x3c: {  	p2 =	seq.s32 s10, $0x1;
	s10 =	sld [smem:$0x3FB5]  }
0x3d: {  	_ =	shalt  }
0x3e: {  	_ =	shalt  }
0x3f: {  	_ =	shalt  }
0x40: {  	_ =	shalt  }
0x41: {  	_ =	shalt  }
0x42: {  	_ =	shalt  }
0x43: {  	_ =	shalt  }
0x44: {  	_ =	shalt  }
0x45: {  	_ =	shalt  }
0x46: {  	_ =	shalt  }
0x47: {  	_ =	shalt  }
0x48: {  	_ =	shalt  }
0x49: {  	_ =	shalt  }
0x4a: {  	_ =	shalt  }
0x4b: {  	_ =	shalt  }
0x4c: {  	_ =	shalt  }
0x4d: {  	_ =	shalt  }
0x4e: {  	_ =	shalt  }
0x4f: {  	_ =	shalt  }
0x50: {  	_ =	shalt  }
0x51: {  	_ =	shalt  }
0x52: {  	_ =	shalt  }
0x53: {  	_ =	shalt  }
0x54: {  	_ =	shalt  }
0x55: {  	_ =	shalt  }
0x56: {  	_ =	shalt  }
0x57: {  	_ =	shalt  }
0x58: {  	_ =	shalt  }
0x59: {  	_ =	shalt  }
0x5a: {  	_ =	shalt  }
0x5b: {  	_ =	shalt  }
0x5c: {  	_ =	shalt  }
0x5d: {  	_ =	shalt  }
0x5e: {  	_ =	shalt  }
0x5f: {  	_ =	shalt  }
0x60: {  	_ =	shalt  }
0x61: {  	_ =	shalt  }
0x62: {  	_ =	shalt  }
0x63: {  	_ =	shalt  }
0x64: {  	_ =	shalt  }
0x65: {  	_ =	shalt  }
0x66: {  	_ =	shalt  }
0x67: {  	_ =	shalt  }
0x68: {  	_ =	shalt  }
0x69: {  	_ =	shalt  }
0x6a: {  	_ =	shalt  }
0x6b: {  	_ =	shalt  }
0x6c: {  	_ =	shalt  }
0x6d: {  	_ =	shalt  }
0x6e: {  	_ =	shalt  }
0x6f: {  	_ =	shalt  }
0x70: {  	_ =	shalt  }
0x71: {  	_ =	shalt  }
0x72: {  	_ =	shalt  }
0x73: {  	_ =	shalt  }
0x74: {  	_ =	shalt  }
0x75: {  	_ =	shalt  }
0x76: {  	_ =	shalt  }
0x77: {  	_ =	shalt  }
0x78: {  	_ =	shalt  }
0x79: {  	_ =	shalt  }
0x7a: {  	_ =	shalt  }
0x7b: {  	_ =	shalt  }
0x7c: {  	_ =	shalt  }
0x7d: {  	_ =	shalt  }
0x7e: {  	_ =	shalt  }
0x7f: {  	_ =	shalt  }
0x80: {  	_ =	shalt  }
0x81: {  	_ =	shalt  }
0x82: {  	_ =	shalt  }
0x83: {  	_ =	shalt  }
0x84: {  	_ =	shalt  }
0x85: {  	_ =	shalt  }
0x86: {  	_ =	shalt  }
0x87: {  	_ =	shalt  }
.Lfunc_end0:
.L_simem_size_0:
called_computation.1_lowered:
.L_overlay_start_0:
0x88: {  	s2 =	sld [smem:$0x3FD9]  }
0x89: {  	s3 =	sld [smem:$0x3FFE];
	_ =	sdelay $0x1  }
0x8a: {  	s1 =	srdreg.scid  }
0x8b: {  	s0 =	sand.u32 $0x1, s1  }
0x8c: {  	s16 =	sshll.u32 s0, $0xA;
	s2 =	sadd.s32 s3, s2  }
0x8d: {  	s2 =	sadd.s32 s2, s16  }
0x8e: {  	[smem:$0x3FC1] =	sst s2  }
0x8f: {  	_ = 	snop  }
0x90: {  	(tm) =	ssettm $0x1  }
0x91: {  	s17 =	sld [smem:$0x3FFB];
	_ =	sdelay $0x3  }
0x92: {  	_ =	strace s17  }
0x93: {  	s2 =	sld [smem:$0x3FFC];
	_ =	sdelay $0x3  }
0x94: {  	_ =	strace s2  }
0x95: {  	s2 =	sld [smem:$0x3FFD];
	_ =	sdelay $0x3  }
0x96: {  	_ =	strace s2  }
0x97: {  	_ =	strace $0x8FFFFFFF  }
0x98: {  	s18 =	sld [smem:$0x3FDB];
	_ =	sdelay $0x1  }
0x99: {  	s19 =	simm.s32 $_scs_section_size  }
0x9a: {  	s4 =	simm.s32 $_size__tile_overlayer_lowered;
	s5 =	simm.s32 $_tile_overlayer_lowered  }
0x9b: {  	s22 =	simm.s32 $0x1BFF;
	s21 =	sshll.u32 s5, $0x1;
	s2 =	sadd.s32 s19, s18  }
0x9c: {  	s6 =	simm.s32 $0x0;
	s20 =	sshll.u32 s4, $0x1;
	s4 =	sadd.s32 s21, s2  }
0x9d: {  	[timem:s6], [sflag:s22] =	dma.local [hbm:s4], s20  }
0x9e: {  	_ =	swait.ge [sflag:s22], s20  }
0x9f: {  	s3 =	ssub.s32 $0x0, s20;
	[sflag:s22] =	ssyncset.done $0x0  }
0xa0: {  	[sflag:s22] =	ssyncadd.s32 s3;
	_ =	sdelay $0x1  }
0xa1: {  	s23 =	simm.s32 $0x1B8B  }
0xa2: {  	_ =	swait.ge [sflag:s23], $0x1  }
0xa3: {  	[sflag:s23] =	ssyncset.done $0x0  }
0xa4: {  	s25 =	simm.s32 $0x1B8E;
	s24 =	sld [smem:$0x3FFE];
	[sflag:s23] =	ssyncadd.s32 $0xFFFFFFFF  }
0xa5: {  	s26 =	simm.s32 $execute0_lowered;
	[smem:$0x3FD2] =	sst s25  }
0xa6: {  	s4 =	sshll.u32 s26, $0x1;
	_ =	strace $0x80000049;
	[dreg:$0x1] =	wrdreg $0xFFFFFFFF  }
0xa7: {  	s28 =	simm.s32 $_size_execute0_lowered;
	s2 =	sadd.s32 s2, s4;
	[dreg:$0x0] =	wrdreg $0x0  }
0xa8: {  	s4 =	sshll.u32 s28, $0x1;
	[dreg:$0x2] =	wrdreg s2  }
0xa9: {  	[dreg:$0x3] =	wrdreg s4  }
0xaa: {  	[dreg:$0x4] =	wrdreg $0xC0  }
0xab: {  	_ =	task [dreg:s6], $0x5FFFF  }
0xac: {  	[dreg:$0x1] =	wrdreg $0xFFFFFFFF  }
0xad: {  	[dreg:$0x0] =	wrdreg $0x60  }
0xae: {  	[dreg:$0x2] =	wrdreg s24  }
0xaf: {  	[dreg:$0x3] =	wrdreg $0x0  }
0xb0: {  	[dreg:$0x4] =	wrdreg $0x9  }
0xb1: {  	_ =	task.clear_ibuf [dreg:s6], $0x5FFFF;
	_ =	strace $0x90000049  }
0xb2: {  	s29 =	simm.s32 $0x9;
	_ =	strace $0x8000004B  }
0xb3: {  	_ =	swait.ge [sflag:s29], $0x1  }
0xb4: {  	[sflag:s29] =	ssyncadd.s32 $0xFFFFFFFF  }
0xb5: {  	_ =	strace $0x9000004B  }
0xb6: {  	_ =	sfence  }
0xb7: {  	s30 =	sld [smem:$0x0];
	_ =	sdelay $0x2  }
0xb8: {  	s31 =	sshll.u32 s1, $0xD;
	s1 =	sshrl.u32 s1, $0x2  }
0xb9: {  	s3 =	sand.u32 $0x4000, s31;
	s1 =	sadd.s32 s1, s30  }
0xba: {  	s0 =	sor.u32 s3, s0;
	s1 =	sshll.u32 s1, $0x11  }
0xbb: {  	s0 =	sor.u32 s1, s0  }
0xbc: {  	s0 =	sadd.s32 $0x8F2B, s0  }
0xbd: {  	[sflag:s0] =	ssyncadd.remote.s32 $0x1  }
0xbe: {  	_ =	sfence.sel $0xFFFF  }
0xbf: {  	[dreg:$0x0] =	wrdreg $0xFFFFFFFF;
	(pc) =	sbr.abs _section_cstart, $3  }
0xc0: {  	[dreg:$0x1] =	wrdreg $0xFFFFFFFF  }
0xc1: {  	_ =	task.clear_ibuf [dreg:s6], $0x2FFFF;
	_ =	strace $0x9FFFFFFF  }
0xc2: {  	(tm) =	ssettm $0x7FFFFFFF  }
0xc3: {  	_ =	shalt  }
tec
execute0_lowered:
.L_overlay_start_1:
0x0: {  	(tag) =	ssettag $0x1  }
0x1: {  	s0 =	srdreg.scid  }
0x2: {  	s5 =	rddreg [dreg:$0x0];
	s9 =	sand.u32 $0x1, s0;
	s0 =	stileid.u32  }
0x3: {  	s2 =	rddreg [dreg:$0x1];
	s3 =	simm.s32 $0x0;
	s7 =	smul.u32 $0x13C00, s0  }
0x4: {  	s14 =	simm.s32 $0x0;
	[smem:$0x7FF] =	sst s3;
	s8 =	smul.u32 $0x13C000, s9  }
0x5: {  	s4 =	sadd.s32 $0x34C00, s5;
	s1 =	sshll.u32 s9, $0x4;
	s28 =	smul.u32 $0x4F000, s0  }
0x6: {  	s11 =	ssub.s32 $0x2, s9;
	s31 =	sshll.u32 s0, $0x6;
	p0 =	seq.s32 s9, $0x0  }
0x7: {  	s9 =	simm.s32 $0x2D;
	s1 =	sor.u32 s0, s1;
	s29 =	sshrl.u32 s11, $0x1  }
0x8: {  	s9 =	simm.s32 @!p0 $0x70;
	s6 =	smul.u32 $0x700, s1;
	s1 =	rddreg [dreg:$0x2]  }
0x9: {  	_ =	strace $0x8000004A;
	s26 =	sshrl.u32 s7, $0x3;
	s7 =	sadd.s32 s7, s8  }
0xa: {  	s30 =	sshrl.u32 s28, $0x2;
	s11 =	ssub.s32 s11, s29;
	s7 =	sshrl.u32 s7, $0x3  }
0xb: {  	s13 =	sadd.s32 s30, s2;
	s10 =	sadd.s32 s6, s5;
	s6 =	sadd.s32 s26, s5  }
0xc: {  	s11 =	smax.u32 s11, $0x1;
	s12 =	sadd.s32 s7, s5;
	s5 =	sadd.s32 $0x5BE00, s6  }
0xd: {  	s6 =	sor.u32 $0x1C02, s31;
	s7 =	sadd.s32 $0x26C00, s10;
	s8 =	sadd.s32 $0x18C00, s10  }
0xe: {  	s10 =	sadd.s32 $0x83600, s12;
	s12 =	sshrl.u32 s13, $0x3;
	s13 =	simm.s32 $0x2  }
.LBB2_1:
0xf: {  	[spmem:s12], [sflag:s6] =	dma.local [hbm:s5], $0x2780  }
0x10: {  	_ =	swait.ge [sflag:s13], $0x2780  }
0x11: {  	[sflag:s13] =	ssyncset.done $0x0  }
0x12: {  	s15 =	simm.s32 $0x13C00;
	[sflag:s13] =	ssyncadd.s32 $0xFFFFD880  }
0x13: {  	[tilespmem:s15], [sflag:$0x2] =	stream.linear.gather [hbm4b:s7+s3], $0x3800, $0x38;
	[tilespmem:$0x1EC00] =	vst v63  }
0x14: {  	_ =	swait.ge [sflag:s13], $0x3800  }
0x15: {  	[sflag:s13] =	ssyncset.done $0x0  }
0x16: {  	s16 =	simm.s32 $0x17400;
	[sflag:s13] =	ssyncadd.s32 $0xFFFFC800  }
0x17: {  	[tilespmem:s16], [sflag:$0x2] =	stream.linear.gather [hbm4b:s8+s3], $0x3800, $0x38;
	[tilespmem:$0x1EC00] =	vst v63  }
0x18: {  	_ =	swait.ge [sflag:s13], $0x3800  }
0x19: {  	p0 =	sle.u32 s9, $0x0;
	[sflag:s13] =	ssyncset.done $0x0  }
0x1a: {  	s17 =	simm.s32 @!p0 $0x80;
	[sflag:s13] =	ssyncadd.s32 $0xFFFFC800  }
0x1b: {  	s18 =	simm.s32 @!p0 $0x1AC00;
	s19 =	simm.s32 @!p0 $0x1;
	[bflag:$0x0] =	sbarrier.arrive $0xFFFF  }
0x1c: {  	[tilespmem:s18], [sflag:$0x1] =	stream.indirect.gather @!p0 [hbm4b:s4+s17], $0x80, s15, s17, $0xb8;
	[tilespmem:$0x1EC00] =	vst v63  }
0x1d: {  	_ =	swait.ge @!p0 [sflag:s19], $0x4000  }
0x1e: {  	[sflag:s19] =	ssyncset.done @!p0 $0x0;
	p0 =	por p0, p0  }
0x1f: {  	[sflag:s19] =	ssyncadd.s32 @!p0 $0xFFFFC000  }
0x20: {  	[spmem:s2] =	stream.indirect.scatter.add.f32 @!p0 [tilespmem:s18], [sflag:$0x2], $0x80, s16, s17, $0xb8;
	[tilespmem:$0x1EC00] =	vst v63  }
0x21: {  	p1 =	sle.u32 s9, $0x1;
	s15 =	simm.s32 $0x17480;
	s18 =	simm.s32 @!p0 $0x2  }
0x22: {  	s17 =	simm.s32 $0x2;
	s16 =	simm.s32 $0x13C80;
	_ =	swait.ge @!p0 [sflag:s18], $0x4000  }
.LBB2_2:
0x23: {  	s19 =	simm.s32 @!p1 $0x80;
	s20 =	simm.s32 @!p1 $0x1AC00;
	[sflag:s18] =	ssyncset.done @!p0 $0x0  }
0x24: {  	s21 =	smov.u32 s17;
	s22 =	smov.u32 s15;
	s17 =	sadd.s32 $0x1, s17  }
0x25: {  	s23 =	simm.s32 @!p1 $0x1;
	[sflag:s18] =	ssyncadd.s32 @!p0 $0xFFFFC000;
	p2 =	sne.s32 s17, $0x70  }
0x26: {  	[tilespmem:s20], [sflag:$0x1] =	stream.indirect.gather @!p1 [hbm4b:s4+s19], $0x80, s16, s19, $0xb8;
	[tilespmem:$0x1EC00] =	vst v63  }
.Ltmp0:
0x27: {  	_ =	swait.ge @!p1 [sflag:s23], $0x4000;
	(pc) =	sbr.rel @p2 .LBB2_2-.Ltmp0, $4  }
0x28: {  	p0 =	por p1, p1;
	[sflag:s23] =	ssyncset.done @!p1 $0x0  }
0x29: {  	s15 =	sadd.s32 $0x80, s15;
	s18 =	simm.s32 @!p0 $0x2;
	[sflag:s23] =	ssyncadd.s32 @!p0 $0xFFFFC000  }
0x2a: {  	[spmem:s2] =	stream.indirect.scatter.add.f32 @!p0 [tilespmem:s20], [sflag:$0x2], $0x80, s22, s19, $0xb8;
	[tilespmem:$0x1EC00] =	vst v63  }
0x2b: {  	s16 =	sadd.s32 $0x80, s16;
	p1 =	sge.u32 s21, s9;
	_ =	swait.ge @!p0 [sflag:s18], $0x4000  }
0x2c: {  	s17 =	simm.s32 @!p1 $0x80;
	[sflag:s18] =	ssyncset.done @!p0 $0x0  }
0x2d: {  	s19 =	simm.s32 @!p1 $0x1AC00;
	s20 =	simm.s32 @!p1 $0x1;
	[sflag:s18] =	ssyncadd.s32 @!p0 $0xFFFFC000  }
0x2e: {  	[tilespmem:s19], [sflag:$0x1] =	stream.indirect.gather @!p1 [hbm4b:s4+s17], $0x80, s16, s17, $0xb8;
	[tilespmem:$0x1EC00] =	vst v63  }
0x2f: {  	_ =	swait.ge @!p1 [sflag:s20], $0x4000  }
0x30: {  	p0 =	por p1, p1;
	[sflag:s20] =	ssyncset.done @!p1 $0x0  }
0x31: {  	s16 =	simm.s32 @!p0 $0x2;
	[sflag:s20] =	ssyncadd.s32 @!p0 $0xFFFFC000  }
0x32: {  	[spmem:s2] =	stream.indirect.scatter.add.f32 @!p0 [tilespmem:s19], [sflag:$0x2], $0x80, s15, s17, $0xb8;
	[tilespmem:$0x1EC00] =	vst v63  }
0x33: {  	_ =	swait.ge @!p0 [sflag:s16], $0x4000  }
0x34: {  	s14 =	sadd.s32 $0x1, s14;
	[sflag:s16] =	ssyncset.done @!p0 $0x0  }
0x35: {  	[sflag:s16] =	ssyncadd.s32 @!p0 $0xFFFFC000;
	p0 =	sne.s32 s14, s11  }
.Ltmp1:
0x36: {  	[bflag:$0x0] =	sbarrier.arrive $0xFFFF;
	(pc) =	sbr.rel @p0 .LBB2_1-.Ltmp1, $4  }
0x37: {  	[hbm:s10], [sflag:s6] =	dma.local [spmem:s12], $0x2780  }
0x38: {  	_ =	swait.ge [sflag:s13], $0x2780  }
0x39: {  	[sflag:s13] =	ssyncset.done $0x0  }
0x3a: {  	[sflag:s13] =	ssyncadd.s32 $0xFFFFD880  }
0x3b: {  	_ =	sfence.sel $0x180000  }
0x3c: {  	[bflag:$0x0] =	sbarrier.arrive $0xFFFF  }
0x3d: {  	p0 =	sne.s32 s0, $0x0;
	_ =	strace $0x9000004A  }
0x3e: {  	s0 =	sadd.s32 @!p0 $0x100000, s1;
	[bflag:$0x2] =	sbarrier.arrive $0xFFFF  }
0x3f: {  	[sflag:s0] =	ssyncadd.tile.s32 @!p0 $0x1;
	_ =	shalt  }
.Lfunc_end2:
_tile_overlayer_lowered:
.L_overlay_start_2:
0x40: {  	(tag) =	ssettag $0x2  }
0x41: {  	s0 =	rddreg [dreg:$0x0];
	s2 =	stileid.u32  }
0x42: {  	s1 =	rddreg [dreg:$0x1];
	p0 =	sne.s32 s2, $0x0  }
0x43: {  	s3 =	rddreg [dreg:$0x2];
	[bflag:$0x3] =	sbarrier.arrive $0xFFFF;
	s2 =	simm.s32 @!p0 $0x1C02  }
0x44: {  	[timem:s3], [sflag:s2] =	dma.local @!p0 [hbm:s0], s1  }
0x45: {  	s0 =	simm.s32 @!p0 $0x2  }
0x46: {  	_ =	swait.ge @!p0 [sflag:s0], s1  }
0x47: {  	s1 =	ssub.s32 @!p0 $0x0, s1;
	[sflag:s0] =	ssyncset.done @!p0 $0x0  }
0x48: {  	[sflag:s0] =	ssyncadd.s32 @!p0 s1  }
0x49: {  	[bflag:$0x3] =	sbarrier.arrive $0xFFFF  }
0x4a: {  	_ =	shalt  }

// kernel: kernel.17.cloned.1.call-start
scs
__scs_entry_jumppad:
0x0: {  	(pc) =	sbr.rel $0x88, $3  }
0x1: {  	(tag) =	ssettag $0x0;
	lr =	simm.s32 $0x1  }
0x2: {  	[smem:$0x3F9A] =	sst lr;
	_ =	strace $0xD0000000  }
0x3: {  	_ = 	snop  }
0x4: {  	_ = 	snop  }
0x5: {  	_ = 	snop  }
0x6: {  	_ = 	snop  }
0x7: {  	_ = 	snop  }
__scs_overlays_trampoline_lowered:
0x8: {  	[smem:$0x3FA9] =	sst s0  }
0x9: {  	[smem:$0x3FAA] =	sst s1  }
0xa: {  	[smem:$0x3FAB] =	sst s2  }
0xb: {  	[smem:$0x3FAC] =	sst s3  }
0xc: {  	[smem:$0x3FAD] =	sst s4  }
0xd: {  	[smem:$0x3FAE] =	sst s5  }
0xe: {  	[smem:$0x3FAF] =	sst s6  }
0xf: {  	[smem:$0x3FB0] =	sst s7  }
0x10: {  	[smem:$0x3FB1] =	sst s8  }
0x11: {  	[smem:$0x3FB2] =	sst s9;
	s0 =	simm.s32 @!p0 $0x0  }
0x12: {  	s1 =	sld [smem:$0x3F98];
	s0 =	simm.s32 @p0 $0x1  }
0x13: {  	[smem:$0x3FB3] =	sst s0;
	s0 =	simm.s32 @!p1 $0x0  }
0x14: {  	s2 =	sld [smem:$0x3F97];
	s0 =	simm.s32 @p1 $0x1  }
0x15: {  	[smem:$0x3FB4] =	sst s0;
	s0 =	simm.s32 @!p2 $0x0  }
0x16: {  	s3 =	sld [smem:$0x3FDB];
	s0 =	simm.s32 @p2 $0x1  }
0x17: {  	s4 =	simm.s32 $0x1BF5;
	[smem:$0x3FB6] =	sst s0  }
0x18: {  	s0 =	sld [smem:$0x3F99];
	_ =	swait.ge [sflag:s4], $0x0  }
0x19: {  	s7 =	sld [smem:$0x3F9A]  }
0x1a: {  	s8 =	sadd.s32 $0xFFFFE003, lr  }
0x1b: {  	s9 =	sadd.s32 $0xFFFFFEF7, lr;
	s5 =	simm.s32 $0xFFFFFFFF;
	p2 =	slt.u32 s8, $0xFFFFF086  }
0x1c: {  	p1 =	slt.u32 s9, $0xF7A;
	s5 =	simm.s32 @!p2 $0x0  }
0x1d: {  	s5 =	simm.s32 @p1 $0x1;
	p0 =	seq.s32 s7, s2  }
0x1e: {  	s7 =	smul.u32 @!p0 $0xF7A, s2;
	p2 =	seq.s32 @!p0 s5, $0x0  }
0x1f: {  	s9 =	smul.u32 $0xF7A, s1;
	s8 =	simm.s32 @!p0 $0x1BF5;
	p2 =	por !p2, p0  }
0x20: {  	[sflag:s8] =	ssyncset.s32 @!p0 $0xFFFFF086;
	s6 =	sadd.s32 @!p0 s3, s7;
	s7 =	simm.s32 @!p0 $0x108  }
0x21: {  	s3 =	sadd.s32 s3, s9;
	s6 =	sadd.s32 @!p0 $0x88, s6;
	s7 =	simm.s32 @p2 $0x1082  }
0x22: {  	[simem:s7], [sflag:s8] =	dma.local @!p0 [hbm:s6], $0xF7A  }
0x23: {  	s9 =	sor.u32 $0xD0000000, s2;
	s6 =	simm.s32 $0x108;
	_ =	swait.ge @!p0 [sflag:s8], $0x0  }
0x24: {  	s3 =	sadd.s32 $0x88, s3;
	s6 =	simm.s32 @!p1 $0x1082;
	[sflag:s4] =	ssyncset.s32 $0xFFFFF086  }
0x25: {  	[simem:s6], [sflag:s4] =	dma.local [hbm:s3], $0xF7A  }
0x26: {  	[smem:$0x3F9A] =	sst s1;
	(tag) =	ssettag s2;
	_ =	strace s9  }
0x27: {  	s1 =	sld [smem:$0x3FAA]  }
0x28: {  	s2 =	sld [smem:$0x3FAB]  }
0x29: {  	s4 =	sld [smem:$0x3FAD]  }
0x2a: {  	p0 =	seq.s32 s5, $0x0;
	s5 =	sld [smem:$0x3FAE]  }
0x2b: {  	s6 =	sld [smem:$0x3FAF]  }
0x2c: {  	s7 =	sld [smem:$0x3FB0]  }
0x2d: {  	s3 =	simm.s32 $0x108;
	s8 =	sld [smem:$0x3FB1]  }
0x2e: {  	s3 =	simm.s32 @!p0 $0x1082;
	s9 =	sld [smem:$0x3FB2]  }
0x2f: {  	lr =	sadd.s32 s0, s3;
	s0 =	sld [smem:$0x3FA9]  }
0x30: {  	s3 =	sld [smem:$0x3FAC]  }
0x31: {  	[smem:$0x3FB5] =	sst s10  }
0x32: {  	s10 =	sld [smem:$0x3FB3];
	_ =	sdelay $0x3  }
0x33: {  	p0 =	seq.s32 s10, $0x1;
	s10 =	sld [smem:$0x3FB5];
	_ =	sdelay $0x3  }
0x34: {  	[smem:$0x3FB5] =	sst s10  }
0x35: {  	s10 =	sld [smem:$0x3FB4];
	_ =	sdelay $0x3  }
0x36: {  	p1 =	seq.s32 s10, $0x1;
	s10 =	sld [smem:$0x3FB5];
	_ =	sdelay $0x3  }
0x37: {  	[smem:$0x3FB5] =	sst s10  }
0x38: {  	s10 =	sld [smem:$0x3FB6]  }
0x39: {  	_ = 	snop;
	(pc) =	sbr.ind lr, $3  }
0x3a: {  	_ = 	snop  }
0x3b: {  	_ = 	snop  }
0x3c: {  	p2 =	seq.s32 s10, $0x1;
	s10 =	sld [smem:$0x3FB5]  }
0x3d: {  	_ =	shalt  }
0x3e: {  	_ =	shalt  }
0x3f: {  	_ =	shalt  }
0x40: {  	_ =	shalt  }
0x41: {  	_ =	shalt  }
0x42: {  	_ =	shalt  }
0x43: {  	_ =	shalt  }
0x44: {  	_ =	shalt  }
0x45: {  	_ =	shalt  }
0x46: {  	_ =	shalt  }
0x47: {  	_ =	shalt  }
0x48: {  	_ =	shalt  }
0x49: {  	_ =	shalt  }
0x4a: {  	_ =	shalt  }
0x4b: {  	_ =	shalt  }
0x4c: {  	_ =	shalt  }
0x4d: {  	_ =	shalt  }
0x4e: {  	_ =	shalt  }
0x4f: {  	_ =	shalt  }
0x50: {  	_ =	shalt  }
0x51: {  	_ =	shalt  }
0x52: {  	_ =	shalt  }
0x53: {  	_ =	shalt  }
0x54: {  	_ =	shalt  }
0x55: {  	_ =	shalt  }
0x56: {  	_ =	shalt  }
0x57: {  	_ =	shalt  }
0x58: {  	_ =	shalt  }
0x59: {  	_ =	shalt  }
0x5a: {  	_ =	shalt  }
0x5b: {  	_ =	shalt  }
0x5c: {  	_ =	shalt  }
0x5d: {  	_ =	shalt  }
0x5e: {  	_ =	shalt  }
0x5f: {  	_ =	shalt  }
0x60: {  	_ =	shalt  }
0x61: {  	_ =	shalt  }
0x62: {  	_ =	shalt  }
0x63: {  	_ =	shalt  }
0x64: {  	_ =	shalt  }
0x65: {  	_ =	shalt  }
0x66: {  	_ =	shalt  }
0x67: {  	_ =	shalt  }
0x68: {  	_ =	shalt  }
0x69: {  	_ =	shalt  }
0x6a: {  	_ =	shalt  }
0x6b: {  	_ =	shalt  }
0x6c: {  	_ =	shalt  }
0x6d: {  	_ =	shalt  }
0x6e: {  	_ =	shalt  }
0x6f: {  	_ =	shalt  }
0x70: {  	_ =	shalt  }
0x71: {  	_ =	shalt  }
0x72: {  	_ =	shalt  }
0x73: {  	_ =	shalt  }
0x74: {  	_ =	shalt  }
0x75: {  	_ =	shalt  }
0x76: {  	_ =	shalt  }
0x77: {  	_ =	shalt  }
0x78: {  	_ =	shalt  }
0x79: {  	_ =	shalt  }
0x7a: {  	_ =	shalt  }
0x7b: {  	_ =	shalt  }
0x7c: {  	_ =	shalt  }
0x7d: {  	_ =	shalt  }
0x7e: {  	_ =	shalt  }
0x7f: {  	_ =	shalt  }
0x80: {  	_ =	shalt  }
0x81: {  	_ =	shalt  }
0x82: {  	_ =	shalt  }
0x83: {  	_ =	shalt  }
0x84: {  	_ =	shalt  }
0x85: {  	_ =	shalt  }
0x86: {  	_ =	shalt  }
0x87: {  	_ =	shalt  }
.Lfunc_end0:
.L_simem_size_0:
called_computation.2_lowered:
.L_overlay_start_0:
0x88: {  	s2 =	sld [smem:$0x3FD9]  }
0x89: {  	s3 =	sld [smem:$0x3FFE];
	_ =	sdelay $0x1  }
0x8a: {  	s1 =	srdreg.scid  }
0x8b: {  	s0 =	sand.u32 $0x1, s1  }
0x8c: {  	s16 =	sshll.u32 s0, $0xA;
	s2 =	sadd.s32 s3, s2  }
0x8d: {  	s2 =	sadd.s32 s2, s16  }
0x8e: {  	[smem:$0x3FC1] =	sst s2  }
0x8f: {  	_ = 	snop  }
0x90: {  	(tm) =	ssettm $0x1  }
0x91: {  	s17 =	sld [smem:$0x3FFB];
	_ =	sdelay $0x3  }
0x92: {  	_ =	strace s17  }
0x93: {  	s2 =	sld [smem:$0x3FFC];
	_ =	sdelay $0x3  }
0x94: {  	_ =	strace s2  }
0x95: {  	s2 =	sld [smem:$0x3FFD];
	_ =	sdelay $0x3  }
0x96: {  	_ =	strace s2  }
0x97: {  	_ =	strace $0x8FFFFFFF  }
0x98: {  	s18 =	sld [smem:$0x3FDB];
	_ =	sdelay $0x1  }
0x99: {  	s19 =	simm.s32 $_scs_section_size  }
0x9a: {  	s4 =	simm.s32 $_size__tile_overlayer_lowered;
	s5 =	simm.s32 $_tile_overlayer_lowered  }
0x9b: {  	s22 =	simm.s32 $0x1BFF;
	s21 =	sshll.u32 s5, $0x1;
	s2 =	sadd.s32 s19, s18  }
0x9c: {  	s6 =	simm.s32 $0x0;
	s20 =	sshll.u32 s4, $0x1;
	s4 =	sadd.s32 s21, s2  }
0x9d: {  	[timem:s6], [sflag:s22] =	dma.local [hbm:s4], s20  }
0x9e: {  	_ =	swait.ge [sflag:s22], s20  }
0x9f: {  	s3 =	ssub.s32 $0x0, s20;
	[sflag:s22] =	ssyncset.done $0x0  }
0xa0: {  	[sflag:s22] =	ssyncadd.s32 s3;
	_ =	sdelay $0x1  }
0xa1: {  	s23 =	simm.s32 $0x1B8B  }
0xa2: {  	_ =	swait.ge [sflag:s23], $0x1  }
0xa3: {  	[sflag:s23] =	ssyncset.done $0x0  }
0xa4: {  	s25 =	simm.s32 $0x1B8E;
	s24 =	sld [smem:$0x3FFE];
	[sflag:s23] =	ssyncadd.s32 $0xFFFFFFFF  }
0xa5: {  	s26 =	simm.s32 $execute0_lowered;
	[smem:$0x3FD2] =	sst s25  }
0xa6: {  	s4 =	sshll.u32 s26, $0x1;
	_ =	strace $0x8000004C;
	[dreg:$0x1] =	wrdreg $0xFFFFFFFF  }
0xa7: {  	s28 =	simm.s32 $_size_execute0_lowered;
	s2 =	sadd.s32 s2, s4;
	[dreg:$0x0] =	wrdreg $0x0  }
0xa8: {  	s4 =	sshll.u32 s28, $0x1;
	[dreg:$0x2] =	wrdreg s2  }
0xa9: {  	[dreg:$0x3] =	wrdreg s4  }
0xaa: {  	[dreg:$0x4] =	wrdreg $0xC0  }
0xab: {  	_ =	task [dreg:s6], $0x5FFFF  }
0xac: {  	[dreg:$0x1] =	wrdreg $0xFFFFFFFF  }
0xad: {  	[dreg:$0x0] =	wrdreg $0x60  }
0xae: {  	[dreg:$0x2] =	wrdreg s24  }
0xaf: {  	[dreg:$0x3] =	wrdreg $0x0  }
0xb0: {  	[dreg:$0x4] =	wrdreg $0x9  }
0xb1: {  	_ =	task.clear_ibuf [dreg:s6], $0x5FFFF;
	_ =	strace $0x9000004C  }
0xb2: {  	s29 =	simm.s32 $0x9;
	_ =	strace $0x8000004E  }
0xb3: {  	_ =	swait.ge [sflag:s29], $0x1  }
0xb4: {  	[sflag:s29] =	ssyncadd.s32 $0xFFFFFFFF  }
0xb5: {  	_ =	strace $0x9000004E  }
0xb6: {  	_ =	sfence  }
0xb7: {  	s30 =	sld [smem:$0x0];
	_ =	sdelay $0x2  }
0xb8: {  	s31 =	sshll.u32 s1, $0xD;
	s1 =	sshrl.u32 s1, $0x2  }
0xb9: {  	s3 =	sand.u32 $0x4000, s31;
	s1 =	sadd.s32 s1, s30  }
0xba: {  	s0 =	sor.u32 s3, s0;
	s1 =	sshll.u32 s1, $0x11  }
0xbb: {  	s0 =	sor.u32 s1, s0  }
0xbc: {  	s0 =	sadd.s32 $0x8F2B, s0  }
0xbd: {  	[sflag:s0] =	ssyncadd.remote.s32 $0x1  }
0xbe: {  	_ =	sfence.sel $0xFFFF  }
0xbf: {  	[dreg:$0x0] =	wrdreg $0xFFFFFFFF;
	(pc) =	sbr.abs _section_cstart, $3  }
0xc0: {  	[dreg:$0x1] =	wrdreg $0xFFFFFFFF  }
0xc1: {  	_ =	task.clear_ibuf [dreg:s6], $0x2FFFF;
	_ =	strace $0x9FFFFFFF  }
0xc2: {  	(tm) =	ssettm $0x7FFFFFFF  }
0xc3: {  	_ =	shalt  }
tec
execute0_lowered:
.L_overlay_start_1:
0x0: {  	(tag) =	ssettag $0x1  }
0x1: {  	s0 =	srdreg.scid  }
0x2: {  	s5 =	rddreg [dreg:$0x0];
	s9 =	sand.u32 $0x1, s0;
	s0 =	stileid.u32  }
0x3: {  	s2 =	rddreg [dreg:$0x1];
	s3 =	simm.s32 $0x0;
	s7 =	smul.u32 $0x13C00, s0  }
0x4: {  	s14 =	simm.s32 $0x0;
	[smem:$0x7FF] =	sst s3;
	s8 =	smul.u32 $0x13C000, s9  }
0x5: {  	s4 =	sadd.s32 $0x34C00, s5;
	s1 =	sshll.u32 s9, $0x4;
	s28 =	smul.u32 $0x4F000, s0  }
0x6: {  	s11 =	ssub.s32 $0x2, s9;
	s31 =	sshll.u32 s0, $0x6;
	p0 =	seq.s32 s9, $0x0  }
0x7: {  	s9 =	simm.s32 $0x2D;
	s1 =	sor.u32 s0, s1;
	s29 =	sshrl.u32 s11, $0x1  }
0x8: {  	s9 =	simm.s32 @!p0 $0x70;
	s6 =	smul.u32 $0x700, s1;
	s1 =	rddreg [dreg:$0x2]  }
0x9: {  	_ =	strace $0x8000004D;
	s26 =	sshrl.u32 s7, $0x3;
	s7 =	sadd.s32 s7, s8  }
0xa: {  	s30 =	sshrl.u32 s28, $0x2;
	s11 =	ssub.s32 s11, s29;
	s7 =	sshrl.u32 s7, $0x3  }
0xb: {  	s13 =	sadd.s32 s30, s2;
	s10 =	sadd.s32 s6, s5;
	s6 =	sadd.s32 s26, s5  }
0xc: {  	s11 =	smax.u32 s11, $0x1;
	s12 =	sadd.s32 s7, s5;
	s5 =	sadd.s32 $0x5BE00, s6  }
0xd: {  	s6 =	sor.u32 $0x1C02, s31;
	s7 =	sadd.s32 $0x26C00, s10;
	s8 =	sadd.s32 $0x18C00, s10  }
0xe: {  	s10 =	sadd.s32 $0x83600, s12;
	s12 =	sshrl.u32 s13, $0x3;
	s13 =	simm.s32 $0x2  }
.LBB2_1:
0xf: {  	[spmem:s12], [sflag:s6] =	dma.local [hbm:s5], $0x2780  }
0x10: {  	_ =	swait.ge [sflag:s13], $0x2780  }
0x11: {  	[sflag:s13] =	ssyncset.done $0x0  }
0x12: {  	s15 =	simm.s32 $0x13C00;
	[sflag:s13] =	ssyncadd.s32 $0xFFFFD880  }
0x13: {  	[tilespmem:s15], [sflag:$0x2] =	stream.linear.gather [hbm4b:s7+s3], $0x3800, $0x38;
	[tilespmem:$0x1EC00] =	vst v63  }
0x14: {  	_ =	swait.ge [sflag:s13], $0x3800  }
0x15: {  	[sflag:s13] =	ssyncset.done $0x0  }
0x16: {  	s16 =	simm.s32 $0x17400;
	[sflag:s13] =	ssyncadd.s32 $0xFFFFC800  }
0x17: {  	[tilespmem:s16], [sflag:$0x2] =	stream.linear.gather [hbm4b:s8+s3], $0x3800, $0x38;
	[tilespmem:$0x1EC00] =	vst v63  }
0x18: {  	_ =	swait.ge [sflag:s13], $0x3800  }
0x19: {  	p0 =	sle.u32 s9, $0x0;
	[sflag:s13] =	ssyncset.done $0x0  }
0x1a: {  	s17 =	simm.s32 @!p0 $0x80;
	[sflag:s13] =	ssyncadd.s32 $0xFFFFC800  }
0x1b: {  	s18 =	simm.s32 @!p0 $0x1AC00;
	s19 =	simm.s32 @!p0 $0x1;
	[bflag:$0x0] =	sbarrier.arrive $0xFFFF  }
0x1c: {  	[tilespmem:s18], [sflag:$0x1] =	stream.indirect.gather @!p0 [hbm4b:s4+s17], $0x80, s15, s17, $0xb8;
	[tilespmem:$0x1EC00] =	vst v63  }
0x1d: {  	_ =	swait.ge @!p0 [sflag:s19], $0x4000  }
0x1e: {  	[sflag:s19] =	ssyncset.done @!p0 $0x0;
	p0 =	por p0, p0  }
0x1f: {  	[sflag:s19] =	ssyncadd.s32 @!p0 $0xFFFFC000  }
0x20: {  	[spmem:s2] =	stream.indirect.scatter.add.f32 @!p0 [tilespmem:s18], [sflag:$0x2], $0x80, s16, s17, $0xb8;
	[tilespmem:$0x1EC00] =	vst v63  }
0x21: {  	p1 =	sle.u32 s9, $0x1;
	s15 =	simm.s32 $0x17480;
	s18 =	simm.s32 @!p0 $0x2  }
0x22: {  	s17 =	simm.s32 $0x2;
	s16 =	simm.s32 $0x13C80;
	_ =	swait.ge @!p0 [sflag:s18], $0x4000  }
.LBB2_2:
0x23: {  	s19 =	simm.s32 @!p1 $0x80;
	s20 =	simm.s32 @!p1 $0x1AC00;
	[sflag:s18] =	ssyncset.done @!p0 $0x0  }
0x24: {  	s21 =	smov.u32 s17;
	s22 =	smov.u32 s15;
	s17 =	sadd.s32 $0x1, s17  }
0x25: {  	s23 =	simm.s32 @!p1 $0x1;
	[sflag:s18] =	ssyncadd.s32 @!p0 $0xFFFFC000;
	p2 =	sne.s32 s17, $0x70  }
0x26: {  	[tilespmem:s20], [sflag:$0x1] =	stream.indirect.gather @!p1 [hbm4b:s4+s19], $0x80, s16, s19, $0xb8;
	[tilespmem:$0x1EC00] =	vst v63  }
.Ltmp0:
0x27: {  	_ =	swait.ge @!p1 [sflag:s23], $0x4000;
	(pc) =	sbr.rel @p2 .LBB2_2-.Ltmp0, $4  }
0x28: {  	p0 =	por p1, p1;
	[sflag:s23] =	ssyncset.done @!p1 $0x0  }
0x29: {  	s15 =	sadd.s32 $0x80, s15;
	s18 =	simm.s32 @!p0 $0x2;
	[sflag:s23] =	ssyncadd.s32 @!p0 $0xFFFFC000  }
0x2a: {  	[spmem:s2] =	stream.indirect.scatter.add.f32 @!p0 [tilespmem:s20], [sflag:$0x2], $0x80, s22, s19, $0xb8;
	[tilespmem:$0x1EC00] =	vst v63  }
0x2b: {  	s16 =	sadd.s32 $0x80, s16;
	p1 =	sge.u32 s21, s9;
	_ =	swait.ge @!p0 [sflag:s18], $0x4000  }
0x2c: {  	s17 =	simm.s32 @!p1 $0x80;
	[sflag:s18] =	ssyncset.done @!p0 $0x0  }
0x2d: {  	s19 =	simm.s32 @!p1 $0x1AC00;
	s20 =	simm.s32 @!p1 $0x1;
	[sflag:s18] =	ssyncadd.s32 @!p0 $0xFFFFC000  }
0x2e: {  	[tilespmem:s19], [sflag:$0x1] =	stream.indirect.gather @!p1 [hbm4b:s4+s17], $0x80, s16, s17, $0xb8;
	[tilespmem:$0x1EC00] =	vst v63  }
0x2f: {  	_ =	swait.ge @!p1 [sflag:s20], $0x4000  }
0x30: {  	p0 =	por p1, p1;
	[sflag:s20] =	ssyncset.done @!p1 $0x0  }
0x31: {  	s16 =	simm.s32 @!p0 $0x2;
	[sflag:s20] =	ssyncadd.s32 @!p0 $0xFFFFC000  }
0x32: {  	[spmem:s2] =	stream.indirect.scatter.add.f32 @!p0 [tilespmem:s19], [sflag:$0x2], $0x80, s15, s17, $0xb8;
	[tilespmem:$0x1EC00] =	vst v63  }
0x33: {  	_ =	swait.ge @!p0 [sflag:s16], $0x4000  }
0x34: {  	s14 =	sadd.s32 $0x1, s14;
	[sflag:s16] =	ssyncset.done @!p0 $0x0  }
0x35: {  	[sflag:s16] =	ssyncadd.s32 @!p0 $0xFFFFC000;
	p0 =	sne.s32 s14, s11  }
.Ltmp1:
0x36: {  	[bflag:$0x0] =	sbarrier.arrive $0xFFFF;
	(pc) =	sbr.rel @p0 .LBB2_1-.Ltmp1, $4  }
0x37: {  	[hbm:s10], [sflag:s6] =	dma.local [spmem:s12], $0x2780  }
0x38: {  	_ =	swait.ge [sflag:s13], $0x2780  }
0x39: {  	[sflag:s13] =	ssyncset.done $0x0  }
0x3a: {  	[sflag:s13] =	ssyncadd.s32 $0xFFFFD880  }
0x3b: {  	_ =	sfence.sel $0x180000  }
0x3c: {  	[bflag:$0x0] =	sbarrier.arrive $0xFFFF  }
0x3d: {  	p0 =	sne.s32 s0, $0x0;
	_ =	strace $0x9000004D  }
0x3e: {  	s0 =	sadd.s32 @!p0 $0x100000, s1;
	[bflag:$0x2] =	sbarrier.arrive $0xFFFF  }
0x3f: {  	[sflag:s0] =	ssyncadd.tile.s32 @!p0 $0x1;
	_ =	shalt  }
.Lfunc_end2:
_tile_overlayer_lowered:
.L_overlay_start_2:
0x40: {  	(tag) =	ssettag $0x2  }
0x41: {  	s0 =	rddreg [dreg:$0x0];
	s2 =	stileid.u32  }
0x42: {  	s1 =	rddreg [dreg:$0x1];
	p0 =	sne.s32 s2, $0x0  }
0x43: {  	s3 =	rddreg [dreg:$0x2];
	[bflag:$0x3] =	sbarrier.arrive $0xFFFF;
	s2 =	simm.s32 @!p0 $0x1C02  }
0x44: {  	[timem:s3], [sflag:s2] =	dma.local @!p0 [hbm:s0], s1  }
0x45: {  	s0 =	simm.s32 @!p0 $0x2  }
0x46: {  	_ =	swait.ge @!p0 [sflag:s0], s1  }
0x47: {  	s1 =	ssub.s32 @!p0 $0x0, s1;
	[sflag:s0] =	ssyncset.done @!p0 $0x0  }
0x48: {  	[sflag:s0] =	ssyncadd.s32 @!p0 s1  }
0x49: {  	[bflag:$0x3] =	sbarrier.arrive $0xFFFF  }
0x4a: {  	_ =	shalt  }

// kernel: kernel.20.cloned.1.call-start
scs
__scs_entry_jumppad:
0x0: {  	(pc) =	sbr.rel $0x88, $3  }
0x1: {  	(tag) =	ssettag $0x0;
	lr =	simm.s32 $0x1  }
0x2: {  	[smem:$0x3F9A] =	sst lr;
	_ =	strace $0xD0000000  }
0x3: {  	_ = 	snop  }
0x4: {  	_ = 	snop  }
0x5: {  	_ = 	snop  }
0x6: {  	_ = 	snop  }
0x7: {  	_ = 	snop  }
__scs_overlays_trampoline_lowered:
0x8: {  	[smem:$0x3FA9] =	sst s0  }
0x9: {  	[smem:$0x3FAA] =	sst s1  }
0xa: {  	[smem:$0x3FAB] =	sst s2  }
0xb: {  	[smem:$0x3FAC] =	sst s3  }
0xc: {  	[smem:$0x3FAD] =	sst s4  }
0xd: {  	[smem:$0x3FAE] =	sst s5  }
0xe: {  	[smem:$0x3FAF] =	sst s6  }
0xf: {  	[smem:$0x3FB0] =	sst s7  }
0x10: {  	[smem:$0x3FB1] =	sst s8  }
0x11: {  	[smem:$0x3FB2] =	sst s9;
	s0 =	simm.s32 @!p0 $0x0  }
0x12: {  	s1 =	sld [smem:$0x3F98];
	s0 =	simm.s32 @p0 $0x1  }
0x13: {  	[smem:$0x3FB3] =	sst s0;
	s0 =	simm.s32 @!p1 $0x0  }
0x14: {  	s2 =	sld [smem:$0x3F97];
	s0 =	simm.s32 @p1 $0x1  }
0x15: {  	[smem:$0x3FB4] =	sst s0;
	s0 =	simm.s32 @!p2 $0x0  }
0x16: {  	s3 =	sld [smem:$0x3FDB];
	s0 =	simm.s32 @p2 $0x1  }
0x17: {  	s4 =	simm.s32 $0x1BF5;
	[smem:$0x3FB6] =	sst s0  }
0x18: {  	s0 =	sld [smem:$0x3F99];
	_ =	swait.ge [sflag:s4], $0x0  }
0x19: {  	s7 =	sld [smem:$0x3F9A]  }
0x1a: {  	s8 =	sadd.s32 $0xFFFFE003, lr  }
0x1b: {  	s9 =	sadd.s32 $0xFFFFFEF7, lr;
	s5 =	simm.s32 $0xFFFFFFFF;
	p2 =	slt.u32 s8, $0xFFFFF086  }
0x1c: {  	p1 =	slt.u32 s9, $0xF7A;
	s5 =	simm.s32 @!p2 $0x0  }
0x1d: {  	s5 =	simm.s32 @p1 $0x1;
	p0 =	seq.s32 s7, s2  }
0x1e: {  	s7 =	smul.u32 @!p0 $0xF7A, s2;
	p2 =	seq.s32 @!p0 s5, $0x0  }
0x1f: {  	s9 =	smul.u32 $0xF7A, s1;
	s8 =	simm.s32 @!p0 $0x1BF5;
	p2 =	por !p2, p0  }
0x20: {  	[sflag:s8] =	ssyncset.s32 @!p0 $0xFFFFF086;
	s6 =	sadd.s32 @!p0 s3, s7;
	s7 =	simm.s32 @!p0 $0x108  }
0x21: {  	s3 =	sadd.s32 s3, s9;
	s6 =	sadd.s32 @!p0 $0x88, s6;
	s7 =	simm.s32 @p2 $0x1082  }
0x22: {  	[simem:s7], [sflag:s8] =	dma.local @!p0 [hbm:s6], $0xF7A  }
0x23: {  	s9 =	sor.u32 $0xD0000000, s2;
	s6 =	simm.s32 $0x108;
	_ =	swait.ge @!p0 [sflag:s8], $0x0  }
0x24: {  	s3 =	sadd.s32 $0x88, s3;
	s6 =	simm.s32 @!p1 $0x1082;
	[sflag:s4] =	ssyncset.s32 $0xFFFFF086  }
0x25: {  	[simem:s6], [sflag:s4] =	dma.local [hbm:s3], $0xF7A  }
0x26: {  	[smem:$0x3F9A] =	sst s1;
	(tag) =	ssettag s2;
	_ =	strace s9  }
0x27: {  	s1 =	sld [smem:$0x3FAA]  }
0x28: {  	s2 =	sld [smem:$0x3FAB]  }
0x29: {  	s4 =	sld [smem:$0x3FAD]  }
0x2a: {  	p0 =	seq.s32 s5, $0x0;
	s5 =	sld [smem:$0x3FAE]  }
0x2b: {  	s6 =	sld [smem:$0x3FAF]  }
0x2c: {  	s7 =	sld [smem:$0x3FB0]  }
0x2d: {  	s3 =	simm.s32 $0x108;
	s8 =	sld [smem:$0x3FB1]  }
0x2e: {  	s3 =	simm.s32 @!p0 $0x1082;
	s9 =	sld [smem:$0x3FB2]  }
0x2f: {  	lr =	sadd.s32 s0, s3;
	s0 =	sld [smem:$0x3FA9]  }
0x30: {  	s3 =	sld [smem:$0x3FAC]  }
0x31: {  	[smem:$0x3FB5] =	sst s10  }
0x32: {  	s10 =	sld [smem:$0x3FB3];
	_ =	sdelay $0x3  }
0x33: {  	p0 =	seq.s32 s10, $0x1;
	s10 =	sld [smem:$0x3FB5];
	_ =	sdelay $0x3  }
0x34: {  	[smem:$0x3FB5] =	sst s10  }
0x35: {  	s10 =	sld [smem:$0x3FB4];
	_ =	sdelay $0x3  }
0x36: {  	p1 =	seq.s32 s10, $0x1;
	s10 =	sld [smem:$0x3FB5];
	_ =	sdelay $0x3  }
0x37: {  	[smem:$0x3FB5] =	sst s10  }
0x38: {  	s10 =	sld [smem:$0x3FB6]  }
0x39: {  	_ = 	snop;
	(pc) =	sbr.ind lr, $3  }
0x3a: {  	_ = 	snop  }
0x3b: {  	_ = 	snop  }
0x3c: {  	p2 =	seq.s32 s10, $0x1;
	s10 =	sld [smem:$0x3FB5]  }
0x3d: {  	_ =	shalt  }
0x3e: {  	_ =	shalt  }
0x3f: {  	_ =	shalt  }
0x40: {  	_ =	shalt  }
0x41: {  	_ =	shalt  }
0x42: {  	_ =	shalt  }
0x43: {  	_ =	shalt  }
0x44: {  	_ =	shalt  }
0x45: {  	_ =	shalt  }
0x46: {  	_ =	shalt  }
0x47: {  	_ =	shalt  }
0x48: {  	_ =	shalt  }
0x49: {  	_ =	shalt  }
0x4a: {  	_ =	shalt  }
0x4b: {  	_ =	shalt  }
0x4c: {  	_ =	shalt  }
0x4d: {  	_ =	shalt  }
0x4e: {  	_ =	shalt  }
0x4f: {  	_ =	shalt  }
0x50: {  	_ =	shalt  }
0x51: {  	_ =	shalt  }
0x52: {  	_ =	shalt  }
0x53: {  	_ =	shalt  }
0x54: {  	_ =	shalt  }
0x55: {  	_ =	shalt  }
0x56: {  	_ =	shalt  }
0x57: {  	_ =	shalt  }
0x58: {  	_ =	shalt  }
0x59: {  	_ =	shalt  }
0x5a: {  	_ =	shalt  }
0x5b: {  	_ =	shalt  }
0x5c: {  	_ =	shalt  }
0x5d: {  	_ =	shalt  }
0x5e: {  	_ =	shalt  }
0x5f: {  	_ =	shalt  }
0x60: {  	_ =	shalt  }
0x61: {  	_ =	shalt  }
0x62: {  	_ =	shalt  }
0x63: {  	_ =	shalt  }
0x64: {  	_ =	shalt  }
0x65: {  	_ =	shalt  }
0x66: {  	_ =	shalt  }
0x67: {  	_ =	shalt  }
0x68: {  	_ =	shalt  }
0x69: {  	_ =	shalt  }
0x6a: {  	_ =	shalt  }
0x6b: {  	_ =	shalt  }
0x6c: {  	_ =	shalt  }
0x6d: {  	_ =	shalt  }
0x6e: {  	_ =	shalt  }
0x6f: {  	_ =	shalt  }
0x70: {  	_ =	shalt  }
0x71: {  	_ =	shalt  }
0x72: {  	_ =	shalt  }
0x73: {  	_ =	shalt  }
0x74: {  	_ =	shalt  }
0x75: {  	_ =	shalt  }
0x76: {  	_ =	shalt  }
0x77: {  	_ =	shalt  }
0x78: {  	_ =	shalt  }
0x79: {  	_ =	shalt  }
0x7a: {  	_ =	shalt  }
0x7b: {  	_ =	shalt  }
0x7c: {  	_ =	shalt  }
0x7d: {  	_ =	shalt  }
0x7e: {  	_ =	shalt  }
0x7f: {  	_ =	shalt  }
0x80: {  	_ =	shalt  }
0x81: {  	_ =	shalt  }
0x82: {  	_ =	shalt  }
0x83: {  	_ =	shalt  }
0x84: {  	_ =	shalt  }
0x85: {  	_ =	shalt  }
0x86: {  	_ =	shalt  }
0x87: {  	_ =	shalt  }
.Lfunc_end0:
.L_simem_size_0:
called_computation.3_lowered:
.L_overlay_start_0:
0x88: {  	s2 =	sld [smem:$0x3FD9]  }
0x89: {  	s3 =	sld [smem:$0x3FFE];
	_ =	sdelay $0x1  }
0x8a: {  	s1 =	srdreg.scid  }
0x8b: {  	s0 =	sand.u32 $0x1, s1  }
0x8c: {  	s16 =	sshll.u32 s0, $0xA;
	s2 =	sadd.s32 s3, s2  }
0x8d: {  	s2 =	sadd.s32 s2, s16  }
0x8e: {  	[smem:$0x3FC1] =	sst s2  }
0x8f: {  	_ = 	snop  }
0x90: {  	(tm) =	ssettm $0x1  }
0x91: {  	s17 =	sld [smem:$0x3FFB];
	_ =	sdelay $0x3  }
0x92: {  	_ =	strace s17  }
0x93: {  	s2 =	sld [smem:$0x3FFC];
	_ =	sdelay $0x3  }
0x94: {  	_ =	strace s2  }
0x95: {  	s2 =	sld [smem:$0x3FFD];
	_ =	sdelay $0x3  }
0x96: {  	_ =	strace s2  }
0x97: {  	_ =	strace $0x8FFFFFFF  }
0x98: {  	s18 =	sld [smem:$0x3FDB];
	_ =	sdelay $0x1  }
0x99: {  	s19 =	simm.s32 $_scs_section_size  }
0x9a: {  	s4 =	simm.s32 $_size__tile_overlayer_lowered;
	s5 =	simm.s32 $_tile_overlayer_lowered  }
0x9b: {  	s22 =	simm.s32 $0x1BFF;
	s21 =	sshll.u32 s5, $0x1;
	s2 =	sadd.s32 s19, s18  }
0x9c: {  	s6 =	simm.s32 $0x0;
	s20 =	sshll.u32 s4, $0x1;
	s4 =	sadd.s32 s21, s2  }
0x9d: {  	[timem:s6], [sflag:s22] =	dma.local [hbm:s4], s20  }
0x9e: {  	_ =	swait.ge [sflag:s22], s20  }
0x9f: {  	s3 =	ssub.s32 $0x0, s20;
	[sflag:s22] =	ssyncset.done $0x0  }
0xa0: {  	[sflag:s22] =	ssyncadd.s32 s3;
	_ =	sdelay $0x1  }
0xa1: {  	s23 =	simm.s32 $0x1B8B  }
0xa2: {  	_ =	swait.ge [sflag:s23], $0x1  }
0xa3: {  	[sflag:s23] =	ssyncset.done $0x0  }
0xa4: {  	s25 =	simm.s32 $0x1B8E;
	s24 =	sld [smem:$0x3FFE];
	[sflag:s23] =	ssyncadd.s32 $0xFFFFFFFF  }
0xa5: {  	s26 =	simm.s32 $execute0_lowered;
	[smem:$0x3FD2] =	sst s25  }
0xa6: {  	s4 =	sshll.u32 s26, $0x1;
	_ =	strace $0x8000004F;
	[dreg:$0x1] =	wrdreg $0xFFFFFFFF  }
0xa7: {  	s28 =	simm.s32 $_size_execute0_lowered;
	s2 =	sadd.s32 s2, s4;
	[dreg:$0x0] =	wrdreg $0x0  }
0xa8: {  	s4 =	sshll.u32 s28, $0x1;
	[dreg:$0x2] =	wrdreg s2  }
0xa9: {  	[dreg:$0x3] =	wrdreg s4  }
0xaa: {  	[dreg:$0x4] =	wrdreg $0xC0  }
0xab: {  	_ =	task [dreg:s6], $0x5FFFF  }
0xac: {  	[dreg:$0x1] =	wrdreg $0xFFFFFFFF  }
0xad: {  	[dreg:$0x0] =	wrdreg $0x60  }
0xae: {  	[dreg:$0x2] =	wrdreg s24  }
0xaf: {  	[dreg:$0x3] =	wrdreg $0x9  }
0xb0: {  	_ =	task.clear_ibuf [dreg:s6], $0x4FFFF;
	_ =	strace $0x9000004F  }
0xb1: {  	s29 =	simm.s32 $0x9;
	_ =	strace $0x80000051  }
0xb2: {  	_ =	swait.ge [sflag:s29], $0x1  }
0xb3: {  	[sflag:s29] =	ssyncadd.s32 $0xFFFFFFFF  }
0xb4: {  	_ =	strace $0x90000051  }
0xb5: {  	_ =	sfence  }
0xb6: {  	s30 =	sld [smem:$0x0];
	_ =	sdelay $0x2  }
0xb7: {  	s31 =	sshll.u32 s1, $0xD;
	s1 =	sshrl.u32 s1, $0x2  }
0xb8: {  	s3 =	sand.u32 $0x4000, s31;
	s1 =	sadd.s32 s1, s30  }
0xb9: {  	s0 =	sor.u32 s3, s0;
	s1 =	sshll.u32 s1, $0x11  }
0xba: {  	s0 =	sor.u32 s1, s0  }
0xbb: {  	s0 =	sadd.s32 $0x8F2B, s0  }
0xbc: {  	[sflag:s0] =	ssyncadd.remote.s32 $0x1  }
0xbd: {  	_ =	sfence.sel $0xFFFF  }
0xbe: {  	[dreg:$0x0] =	wrdreg $0xFFFFFFFF;
	(pc) =	sbr.abs _section_cstart, $3  }
0xbf: {  	[dreg:$0x1] =	wrdreg $0xFFFFFFFF  }
0xc0: {  	_ =	task.clear_ibuf [dreg:s6], $0x2FFFF;
	_ =	strace $0x9FFFFFFF  }
0xc1: {  	(tm) =	ssettm $0x7FFFFFFF  }
tec
execute0_lowered:
.L_overlay_start_1:
0x0: {  	(tag) =	ssettag $0x1  }
0x1: {  	s1 =	srdreg.scid  }
0x2: {  	s0 =	stileid.u32;
	s29 =	sand.u32 $0x1, s1  }
0x3: {  	s3 =	sshll.u32 s0, $0x7;
	s1 =	sshll.u32 s29, $0xB  }
0x4: {  	s14 =	rddreg [dreg:$0x0];
	s1 =	sor.u32 s3, s1  }
0x5: {  	s2 =	simm.s32 $0x0;
	s1 =	sadd.s32 s1, s14  }
0x6: {  	[smem:$0x7FF] =	sst s2;
	s26 =	sadd.s32 $0xE00, s1  }
0x7: {  	_ =	strace $0x80000050;
	[dreg:$0x2] =	wrdreg s26  }
0x8: {  	s3 =	simm.s32 $0x3;
	s4 =	rddreg [dreg:$0x2]  }
0x9: {  	[tilespmem:s2], [sflag:$0x3] =	stream.linear.gather [hbm4b:s4+s2], $0x280, $0x38;
	[tilespmem:$0x8800] =	vst v63  }
0xa: {  	_ =	swait.ge [sflag:s3], $0x280  }
0xb: {  	[sflag:s3] =	ssyncset.done $0x0  }
0xc: {  	s5 =	simm.s32 $0x400;
	s4 =	sadd.s32 $0x1E00, s1;
	[sflag:s3] =	ssyncadd.s32 $0xFFFFFD80  }
0xd: {  	[tilespmem:s5], [sflag:$0x3] =	stream.linear.gather [hbm4b:s4+s2], $0x280, $0x38;
	[tilespmem:$0x8800] =	vst v63  }
0xe: {  	_ =	swait.ge [sflag:s3], $0x280  }
0xf: {  	s7 =	simm.s32 $0x80;
	[sflag:s3] =	ssyncset.done $0x0  }
0x10: {  	s8 =	simm.s32 $0x800;
	s6 =	sadd.s32 $0x2E00, s14;
	[sflag:s3] =	ssyncadd.s32 $0xFFFFFD80  }
0x11: {  	[tilespmem:s8], [sflag:$0x1] =	stream.indirect.gather [hbm4b:s6+s7], $0x80, s2, s7, $0xb8;
	[tilespmem:$0x8800] =	vst v63  }
0x12: {  	s9 =	simm.s32 $0x4800;
	s10 =	simm.s32 $0x1  }
0x13: {  	[tilespmem:s9], [sflag:$0x2] =	stream.indirect.gather [hbm4b:s6+s7], $0x80, s5, s7, $0xb8;
	[tilespmem:$0x8800] =	vst v63  }
0x14: {  	_ =	swait.ge [sflag:s10], $0x4000  }
0x15: {  	s12 =	smul.u32 $0x2800, s0;
	[sflag:s10] =	ssyncset.done $0x0  }
0x16: {  	s11 =	simm.s32 $0x2;
	[sflag:s10] =	ssyncadd.s32 $0xFFFFC000  }
0x17: {  	p0 =	seq.s32 s29, $0x0;
	s1 =	sadd.s32 $0x28000, s12;
	_ =	swait.ge [sflag:s11], $0x4000  }
0x18: {  	s30 =	sadd.s32 $0x2A000, s14;
	s1 =	smov.u32 @p0 s12;
	[sflag:s11] =	ssyncset.done $0x0  }
0x19: {  	s13 =	simm.s32 $0x4;
	s12 =	sadd.s32 s30, s1;
	[sflag:s11] =	ssyncadd.s32 $0xFFFFC000  }
0x1a: {  	[hbm4b:s12+s2] =	stream.linear.scatter [tilespmem:s8], [sflag:$0x4], $0x4000, $0x38;
	[tilespmem:$0x8800] =	vst v63  }
0x1b: {  	_ =	swait.ge [sflag:s13], $0x4000  }
0x1c: {  	s31 =	sadd.s32 $0x7A000, s14;
	[sflag:s13] =	ssyncset.done $0x0  }
0x1d: {  	s14 =	sadd.s32 s31, s1;
	[sflag:s13] =	ssyncadd.s32 $0xFFFFC000  }
0x1e: {  	[hbm4b:s14+s2] =	stream.linear.scatter [tilespmem:s9], [sflag:$0x3], $0x4000, $0x38;
	[tilespmem:$0x8800] =	vst v63  }
0x1f: {  	_ =	swait.ge [sflag:s3], $0x4000  }
0x20: {  	[sflag:s3] =	ssyncset.done $0x0  }
0x21: {  	[sflag:s3] =	ssyncadd.s32 $0xFFFFC000  }
0x22: {  	[tilespmem:s8], [sflag:$0x1] =	stream.indirect.gather [hbm4b:s6+s7], $0x80, s7, s7, $0xb8;
	[tilespmem:$0x8800] =	vst v63  }
0x23: {  	s15 =	simm.s32 $0x480  }
0x24: {  	[tilespmem:s9], [sflag:$0x2] =	stream.indirect.gather [hbm4b:s6+s7], $0x80, s15, s7, $0xb8;
	[tilespmem:$0x8800] =	vst v63  }
0x25: {  	_ =	swait.ge [sflag:s10], $0x4000  }
0x26: {  	[sflag:s10] =	ssyncset.done $0x0  }
0x27: {  	[sflag:s10] =	ssyncadd.s32 $0xFFFFC000  }
0x28: {  	_ =	swait.ge [sflag:s11], $0x4000  }
0x29: {  	s17 =	sadd.s32 $0x800, s1;
	[sflag:s11] =	ssyncset.done $0x0  }
0x2a: {  	s16 =	sadd.s32 s30, s17;
	[sflag:s11] =	ssyncadd.s32 $0xFFFFC000  }
0x2b: {  	[hbm4b:s16+s2] =	stream.linear.scatter [tilespmem:s8], [sflag:$0x4], $0x4000, $0x38;
	[tilespmem:$0x8800] =	vst v63  }
0x2c: {  	_ =	swait.ge [sflag:s13], $0x4000  }
0x2d: {  	[sflag:s13] =	ssyncset.done $0x0  }
0x2e: {  	s17 =	sadd.s32 s31, s17;
	[sflag:s13] =	ssyncadd.s32 $0xFFFFC000  }
0x2f: {  	[hbm4b:s17+s2] =	stream.linear.scatter [tilespmem:s9], [sflag:$0x3], $0x4000, $0x38;
	[tilespmem:$0x8800] =	vst v63  }
0x30: {  	_ =	swait.ge [sflag:s3], $0x4000  }
0x31: {  	[sflag:s3] =	ssyncset.done $0x0  }
0x32: {  	s18 =	simm.s32 $0x100;
	[sflag:s3] =	ssyncadd.s32 $0xFFFFC000  }
0x33: {  	[tilespmem:s8], [sflag:$0x1] =	stream.indirect.gather [hbm4b:s6+s7], $0x80, s18, s7, $0xb8;
	[tilespmem:$0x8800] =	vst v63  }
0x34: {  	s19 =	simm.s32 $0x500  }
0x35: {  	[tilespmem:s9], [sflag:$0x2] =	stream.indirect.gather [hbm4b:s6+s7], $0x80, s19, s7, $0xb8;
	[tilespmem:$0x8800] =	vst v63  }
0x36: {  	_ =	swait.ge [sflag:s10], $0x4000  }
0x37: {  	[sflag:s10] =	ssyncset.done $0x0  }
0x38: {  	[sflag:s10] =	ssyncadd.s32 $0xFFFFC000  }
0x39: {  	_ =	swait.ge [sflag:s11], $0x4000  }
0x3a: {  	s21 =	sadd.s32 $0x1000, s1;
	[sflag:s11] =	ssyncset.done $0x0  }
0x3b: {  	s20 =	sadd.s32 s30, s21;
	[sflag:s11] =	ssyncadd.s32 $0xFFFFC000  }
0x3c: {  	[hbm4b:s20+s2] =	stream.linear.scatter [tilespmem:s8], [sflag:$0x4], $0x4000, $0x38;
	[tilespmem:$0x8800] =	vst v63  }
0x3d: {  	_ =	swait.ge [sflag:s13], $0x4000  }
0x3e: {  	[sflag:s13] =	ssyncset.done $0x0  }
0x3f: {  	s21 =	sadd.s32 s31, s21;
	[sflag:s13] =	ssyncadd.s32 $0xFFFFC000  }
0x40: {  	[hbm4b:s21+s2] =	stream.linear.scatter [tilespmem:s9], [sflag:$0x3], $0x4000, $0x38;
	[tilespmem:$0x8800] =	vst v63  }
0x41: {  	_ =	swait.ge [sflag:s3], $0x4000  }
0x42: {  	[sflag:s3] =	ssyncset.done $0x0  }
0x43: {  	s22 =	simm.s32 $0x180;
	[sflag:s3] =	ssyncadd.s32 $0xFFFFC000  }
0x44: {  	[tilespmem:s8], [sflag:$0x1] =	stream.indirect.gather [hbm4b:s6+s7], $0x80, s22, s7, $0xb8;
	[tilespmem:$0x8800] =	vst v63  }
0x45: {  	s23 =	simm.s32 $0x580  }
0x46: {  	[tilespmem:s9], [sflag:$0x2] =	stream.indirect.gather [hbm4b:s6+s7], $0x80, s23, s7, $0xb8;
	[tilespmem:$0x8800] =	vst v63  }
0x47: {  	_ =	swait.ge [sflag:s10], $0x4000  }
0x48: {  	[sflag:s10] =	ssyncset.done $0x0  }
0x49: {  	[sflag:s10] =	ssyncadd.s32 $0xFFFFC000  }
0x4a: {  	_ =	swait.ge [sflag:s11], $0x4000  }
0x4b: {  	s25 =	sadd.s32 $0x1800, s1;
	[sflag:s11] =	ssyncset.done $0x0  }
0x4c: {  	s24 =	sadd.s32 s30, s25;
	[sflag:s11] =	ssyncadd.s32 $0xFFFFC000  }
0x4d: {  	[hbm4b:s24+s2] =	stream.linear.scatter [tilespmem:s8], [sflag:$0x4], $0x4000, $0x38;
	[tilespmem:$0x8800] =	vst v63  }
0x4e: {  	_ =	swait.ge [sflag:s13], $0x4000  }
0x4f: {  	[sflag:s13] =	ssyncset.done $0x0  }
0x50: {  	s25 =	sadd.s32 s31, s25;
	[sflag:s13] =	ssyncadd.s32 $0xFFFFC000  }
0x51: {  	[hbm4b:s25+s2] =	stream.linear.scatter [tilespmem:s9], [sflag:$0x3], $0x4000, $0x38;
	[tilespmem:$0x8800] =	vst v63  }
0x52: {  	_ =	swait.ge [sflag:s3], $0x4000  }
0x53: {  	[sflag:s3] =	ssyncset.done $0x0  }
0x54: {  	s26 =	simm.s32 $0x200;
	[sflag:s3] =	ssyncadd.s32 $0xFFFFC000  }
0x55: {  	[tilespmem:s8], [sflag:$0x1] =	stream.indirect.gather [hbm4b:s6+s7], $0x80, s26, s7, $0xb8;
	[tilespmem:$0x8800] =	vst v63  }
0x56: {  	s28 =	simm.s32 $0x600  }
0x57: {  	[tilespmem:s9], [sflag:$0x2] =	stream.indirect.gather [hbm4b:s6+s7], $0x80, s28, s7, $0xb8;
	[tilespmem:$0x8800] =	vst v63  }
0x58: {  	_ =	swait.ge [sflag:s10], $0x4000  }
0x59: {  	s0 =	ssub.s32 $0x2, s29;
	s1 =	sadd.s32 $0x2000, s1;
	[sflag:s10] =	ssyncset.done $0x0  }
0x5a: {  	s29 =	sadd.s32 s30, s1;
	s30 =	sshrl.u32 s0, $0x1;
	[sflag:s10] =	ssyncadd.s32 $0xFFFFC000  }
0x5b: {  	s0 =	ssub.s32 s0, s30;
	_ =	swait.ge [sflag:s11], $0x4000  }
0x5c: {  	s0 =	smax.u32 s0, $0x1;
	[sflag:s11] =	ssyncset.done $0x0  }
0x5d: {  	p0 =	sne.s32 s0, $0x1;
	[sflag:s11] =	ssyncadd.s32 $0xFFFFC000  }
0x5e: {  	[hbm4b:s29+s2] =	stream.linear.scatter [tilespmem:s8], [sflag:$0x4], $0x4000, $0x38;
	[tilespmem:$0x8800] =	vst v63  }
.Ltmp0:
0x5f: {  	_ =	swait.ge [sflag:s13], $0x4000;
	(pc) =	sbr.rel @!p0 .LBB2_2-.Ltmp0, $4  }
0x60: {  	[sflag:s13] =	ssyncset.done $0x0  }
0x61: {  	s30 =	sadd.s32 s31, s1;
	[sflag:s13] =	ssyncadd.s32 $0xFFFFC000  }
0x62: {  	[hbm4b:s30+s2] =	stream.linear.scatter [tilespmem:s9], [sflag:$0x3], $0x4000, $0x38;
	[tilespmem:$0x8800] =	vst v63  }
0x63: {  	s31 =	sadd.s32 $0xFFFFFFFF, s0;
	_ =	swait.ge [sflag:s3], $0x4000  }
.LBB2_1:
0x64: {  	[sflag:s3] =	ssyncset.done $0x0  }
0x65: {  	s0 =	rddreg [dreg:$0x2];
	[sflag:s3] =	ssyncadd.s32 $0xFFFFC000  }
0x66: {  	[tilespmem:s2], [sflag:$0x3] =	stream.linear.gather [hbm4b:s0+s2], $0x280, $0x38;
	[tilespmem:$0x8800] =	vst v63  }
0x67: {  	_ =	swait.ge [sflag:s3], $0x280  }
0x68: {  	[sflag:s3] =	ssyncset.done $0x0  }
0x69: {  	[sflag:s3] =	ssyncadd.s32 $0xFFFFFD80  }
0x6a: {  	[tilespmem:s5], [sflag:$0x3] =	stream.linear.gather [hbm4b:s4+s2], $0x280, $0x38;
	[tilespmem:$0x8800] =	vst v63  }
0x6b: {  	_ =	swait.ge [sflag:s3], $0x280  }
0x6c: {  	[sflag:s3] =	ssyncset.done $0x0  }
0x6d: {  	[sflag:s3] =	ssyncadd.s32 $0xFFFFFD80  }
0x6e: {  	[tilespmem:s8], [sflag:$0x1] =	stream.indirect.gather [hbm4b:s6+s7], $0x80, s2, s7, $0xb8;
	[tilespmem:$0x8800] =	vst v63  }
0x6f: {  	_ = 	snop  }
0x70: {  	[tilespmem:s9], [sflag:$0x2] =	stream.indirect.gather [hbm4b:s6+s7], $0x80, s5, s7, $0xb8;
	[tilespmem:$0x8800] =	vst v63  }
0x71: {  	_ =	swait.ge [sflag:s10], $0x4000  }
0x72: {  	[sflag:s10] =	ssyncset.done $0x0  }
0x73: {  	[sflag:s10] =	ssyncadd.s32 $0xFFFFC000  }
0x74: {  	_ =	swait.ge [sflag:s11], $0x4000  }
0x75: {  	[sflag:s11] =	ssyncset.done $0x0  }
0x76: {  	[sflag:s11] =	ssyncadd.s32 $0xFFFFC000  }
0x77: {  	[hbm4b:s12+s2] =	stream.linear.scatter [tilespmem:s8], [sflag:$0x4], $0x4000, $0x38;
	[tilespmem:$0x8800] =	vst v63  }
0x78: {  	_ =	swait.ge [sflag:s13], $0x4000  }
0x79: {  	[sflag:s13] =	ssyncset.done $0x0  }
0x7a: {  	[sflag:s13] =	ssyncadd.s32 $0xFFFFC000  }
0x7b: {  	[hbm4b:s14+s2] =	stream.linear.scatter [tilespmem:s9], [sflag:$0x3], $0x4000, $0x38;
	[tilespmem:$0x8800] =	vst v63  }
0x7c: {  	_ =	swait.ge [sflag:s3], $0x4000  }
0x7d: {  	[sflag:s3] =	ssyncset.done $0x0  }
0x7e: {  	[sflag:s3] =	ssyncadd.s32 $0xFFFFC000  }
0x7f: {  	[tilespmem:s8], [sflag:$0x1] =	stream.indirect.gather [hbm4b:s6+s7], $0x80, s7, s7, $0xb8;
	[tilespmem:$0x8800] =	vst v63  }
0x80: {  	_ = 	snop  }
0x81: {  	[tilespmem:s9], [sflag:$0x2] =	stream.indirect.gather [hbm4b:s6+s7], $0x80, s15, s7, $0xb8;
	[tilespmem:$0x8800] =	vst v63  }
0x82: {  	_ =	swait.ge [sflag:s10], $0x4000  }
0x83: {  	[sflag:s10] =	ssyncset.done $0x0  }
0x84: {  	[sflag:s10] =	ssyncadd.s32 $0xFFFFC000  }
0x85: {  	_ =	swait.ge [sflag:s11], $0x4000  }
0x86: {  	[sflag:s11] =	ssyncset.done $0x0  }
0x87: {  	[sflag:s11] =	ssyncadd.s32 $0xFFFFC000  }
0x88: {  	[hbm4b:s16+s2] =	stream.linear.scatter [tilespmem:s8], [sflag:$0x4], $0x4000, $0x38;
	[tilespmem:$0x8800] =	vst v63  }
0x89: {  	_ =	swait.ge [sflag:s13], $0x4000  }
0x8a: {  	[sflag:s13] =	ssyncset.done $0x0  }
0x8b: {  	[sflag:s13] =	ssyncadd.s32 $0xFFFFC000  }
0x8c: {  	[hbm4b:s17+s2] =	stream.linear.scatter [tilespmem:s9], [sflag:$0x3], $0x4000, $0x38;
	[tilespmem:$0x8800] =	vst v63  }
0x8d: {  	_ =	swait.ge [sflag:s3], $0x4000  }
0x8e: {  	[sflag:s3] =	ssyncset.done $0x0  }
0x8f: {  	[sflag:s3] =	ssyncadd.s32 $0xFFFFC000  }
0x90: {  	[tilespmem:s8], [sflag:$0x1] =	stream.indirect.gather [hbm4b:s6+s7], $0x80, s18, s7, $0xb8;
	[tilespmem:$0x8800] =	vst v63  }
0x91: {  	_ = 	snop  }
0x92: {  	[tilespmem:s9], [sflag:$0x2] =	stream.indirect.gather [hbm4b:s6+s7], $0x80, s19, s7, $0xb8;
	[tilespmem:$0x8800] =	vst v63  }
0x93: {  	_ =	swait.ge [sflag:s10], $0x4000  }
0x94: {  	[sflag:s10] =	ssyncset.done $0x0  }
0x95: {  	[sflag:s10] =	ssyncadd.s32 $0xFFFFC000  }
0x96: {  	_ =	swait.ge [sflag:s11], $0x4000  }
0x97: {  	[sflag:s11] =	ssyncset.done $0x0  }
0x98: {  	[sflag:s11] =	ssyncadd.s32 $0xFFFFC000  }
0x99: {  	[hbm4b:s20+s2] =	stream.linear.scatter [tilespmem:s8], [sflag:$0x4], $0x4000, $0x38;
	[tilespmem:$0x8800] =	vst v63  }
0x9a: {  	_ =	swait.ge [sflag:s13], $0x4000  }
0x9b: {  	[sflag:s13] =	ssyncset.done $0x0  }
0x9c: {  	[sflag:s13] =	ssyncadd.s32 $0xFFFFC000  }
0x9d: {  	[hbm4b:s21+s2] =	stream.linear.scatter [tilespmem:s9], [sflag:$0x3], $0x4000, $0x38;
	[tilespmem:$0x8800] =	vst v63  }
0x9e: {  	_ =	swait.ge [sflag:s3], $0x4000  }
0x9f: {  	[sflag:s3] =	ssyncset.done $0x0  }
0xa0: {  	[sflag:s3] =	ssyncadd.s32 $0xFFFFC000  }
0xa1: {  	[tilespmem:s8], [sflag:$0x1] =	stream.indirect.gather [hbm4b:s6+s7], $0x80, s22, s7, $0xb8;
	[tilespmem:$0x8800] =	vst v63  }
0xa2: {  	_ = 	snop  }
0xa3: {  	[tilespmem:s9], [sflag:$0x2] =	stream.indirect.gather [hbm4b:s6+s7], $0x80, s23, s7, $0xb8;
	[tilespmem:$0x8800] =	vst v63  }
0xa4: {  	_ =	swait.ge [sflag:s10], $0x4000  }
0xa5: {  	[sflag:s10] =	ssyncset.done $0x0  }
0xa6: {  	[sflag:s10] =	ssyncadd.s32 $0xFFFFC000  }
0xa7: {  	_ =	swait.ge [sflag:s11], $0x4000  }
0xa8: {  	[sflag:s11] =	ssyncset.done $0x0  }
0xa9: {  	[sflag:s11] =	ssyncadd.s32 $0xFFFFC000  }
0xaa: {  	[hbm4b:s24+s2] =	stream.linear.scatter [tilespmem:s8], [sflag:$0x4], $0x4000, $0x38;
	[tilespmem:$0x8800] =	vst v63  }
0xab: {  	_ =	swait.ge [sflag:s13], $0x4000  }
0xac: {  	[sflag:s13] =	ssyncset.done $0x0  }
0xad: {  	[sflag:s13] =	ssyncadd.s32 $0xFFFFC000  }
0xae: {  	[hbm4b:s25+s2] =	stream.linear.scatter [tilespmem:s9], [sflag:$0x3], $0x4000, $0x38;
	[tilespmem:$0x8800] =	vst v63  }
0xaf: {  	_ =	swait.ge [sflag:s3], $0x4000  }
0xb0: {  	[sflag:s3] =	ssyncset.done $0x0  }
0xb1: {  	[sflag:s3] =	ssyncadd.s32 $0xFFFFC000  }
0xb2: {  	[tilespmem:s8], [sflag:$0x1] =	stream.indirect.gather [hbm4b:s6+s7], $0x80, s26, s7, $0xb8;
	[tilespmem:$0x8800] =	vst v63  }
0xb3: {  	_ = 	snop  }
0xb4: {  	[tilespmem:s9], [sflag:$0x2] =	stream.indirect.gather [hbm4b:s6+s7], $0x80, s28, s7, $0xb8;
	[tilespmem:$0x8800] =	vst v63  }
0xb5: {  	_ =	swait.ge [sflag:s10], $0x4000  }
0xb6: {  	[sflag:s10] =	ssyncset.done $0x0  }
0xb7: {  	[sflag:s10] =	ssyncadd.s32 $0xFFFFC000  }
0xb8: {  	_ =	swait.ge [sflag:s11], $0x4000  }
0xb9: {  	[sflag:s11] =	ssyncset.done $0x0  }
0xba: {  	p0 =	sne.s32 s31, $0x1;
	[sflag:s11] =	ssyncadd.s32 $0xFFFFC000  }
0xbb: {  	[hbm4b:s29+s2] =	stream.linear.scatter [tilespmem:s8], [sflag:$0x4], $0x4000, $0x38;
	[tilespmem:$0x8800] =	vst v63  }
.Ltmp1:
0xbc: {  	_ =	swait.ge [sflag:s13], $0x4000;
	(pc) =	sbr.rel @p0 .LBB2_1-.Ltmp1, $4  }
0xbd: {  	[sflag:s13] =	ssyncset.done $0x0  }
0xbe: {  	[sflag:s13] =	ssyncadd.s32 $0xFFFFC000  }
0xbf: {  	[hbm4b:s30+s2] =	stream.linear.scatter [tilespmem:s9], [sflag:$0x3], $0x4000, $0x38;
	[tilespmem:$0x8800] =	vst v63  }
0xc0: {  	s31 =	sadd.s32 $0xFFFFFFFF, s31;
	_ =	swait.ge [sflag:s3], $0x4000  }
.LBB2_2:
0xc1: {  	[sflag:s3] =	ssyncset.done $0x0  }
0xc2: {  	[sflag:s3] =	ssyncadd.s32 $0xFFFFC000  }
0xc3: {  	_ =	sfence.sel $0x180000  }
0xc4: {  	[bflag:$0x0] =	sbarrier.arrive $0xFFFF  }
0xc5: {  	_ =	strace $0x90000050  }
0xc6: {  	s0 =	stileid.u32;
	[bflag:$0x2] =	sbarrier.arrive $0xFFFF  }
0xc7: {  	p0 =	sne.s32 s0, $0x0;
	s0 =	rddreg [dreg:$0x1]  }
0xc8: {  	s0 =	sadd.s32 @!p0 $0x100000, s0  }
0xc9: {  	[sflag:s0] =	ssyncadd.tile.s32 @!p0 $0x1;
	_ =	shalt  }
.Lfunc_end2:
_tile_overlayer_lowered:
.L_overlay_start_2:
0xca: {  	(tag) =	ssettag $0x2  }
0xcb: {  	s0 =	rddreg [dreg:$0x0];
	s2 =	stileid.u32  }
0xcc: {  	s1 =	rddreg [dreg:$0x1];
	p0 =	sne.s32 s2, $0x0  }
0xcd: {  	s3 =	rddreg [dreg:$0x2];
	[bflag:$0x3] =	sbarrier.arrive $0xFFFF;
	s2 =	simm.s32 @!p0 $0x1C03  }
0xce: {  	[timem:s3], [sflag:s2] =	dma.local @!p0 [hbm:s0], s1  }
0xcf: {  	s0 =	simm.s32 @!p0 $0x3  }
0xd0: {  	_ =	swait.ge @!p0 [sflag:s0], s1  }
0xd1: {  	s1 =	ssub.s32 @!p0 $0x0, s1;
	[sflag:s0] =	ssyncset.done @!p0 $0x0  }
0xd2: {  	[sflag:s0] =	ssyncadd.s32 @!p0 s1  }
0xd3: {  	[bflag:$0x3] =	sbarrier.arrive $0xFFFF  }
0xd4: {  	_ =	shalt  }

</sc_bundles>
